<compile_context>
chip_gen: v7x
topology: tpu7x:2x2x1
jax: 0.10.2.dev20260603
libtpu: 0.0.44.dev20260713+nightly
codegen_flags: <defaults>
</compile_context>

<pallas_src>
import functools

import jax
import jax.numpy as jnp
from jax import lax
from jax.experimental import pallas as pl
from jax.experimental.pallas import tpu as pltpu
from jax.experimental.pallas import tpu_sc as plsc

_K = 32
_R2 = 0.25
_TN = 512
_TM = 512


def _ball_query_body(pq_ref, pt_ref, idx_ref):
    b = pl.program_id(0)
    n_all = pt_ref.shape[2]
    q = pq_ref[0]
    qx = q[:, 0:1]
    qy = q[:, 1:2]
    qz = q[:, 2:3]

    ri = lax.broadcasted_iota(jnp.int32, (_TM, _TM), 0)
    ci = lax.broadcasted_iota(jnp.int32, (_TM, _TM), 1)
    lt = (ri < ci).astype(jnp.float32)
    koh = lax.broadcasted_iota(jnp.int32, (1, _K), 1)

    def mstep(t, carry):
        cnt, acc = carry
        m0 = t * _TM
        px = pt_ref[0, 0:1, pl.ds(m0, _TM)]
        py = pt_ref[0, 1:2, pl.ds(m0, _TM)]
        pz = pt_ref[0, 2:3, pl.ds(m0, _TM)]
        dx = qx - px
        dy = qy - py
        dz = qz - pz
        d2 = (dx * dx + dy * dy) + dz * dz
        mf = (d2 < _R2).astype(jnp.float32)
        exr = lax.dot(mf, lt, preferred_element_type=jnp.float32)
        s = cnt + exr
        validf = mf * (s < _K).astype(jnp.float32)
        mvals = (m0 + lax.broadcasted_iota(jnp.int32, (1, _TM), 1)).astype(
            jnp.float32)
        for k in range(_K):
            eq = jnp.where(s == float(k), validf, 0.0)
            contrib = jnp.sum(eq * mvals, axis=1, keepdims=True)
            oh = (koh == k).astype(jnp.float32)
            acc = acc + contrib * oh
        cnt = cnt + jnp.sum(mf, axis=1, keepdims=True)
        return cnt, acc

    cnt0 = jnp.zeros((_TN, 1), jnp.float32)
    acc0 = jnp.zeros((_TN, _K), jnp.float32)
    cnt, acc = lax.fori_loop(0, n_all // _TM, mstep, (cnt0, acc0))

    kio = lax.broadcasted_iota(jnp.int32, (_TN, _K), 1).astype(jnp.float32)
    first = acc[:, 0:1]
    idxf = jnp.where(kio < cnt, acc, first)
    idx_ref[0] = idxf.astype(jnp.int32) + b * n_all


def _dgT(a, w):
    return lax.dot_general(a, w, (((1,), (1,)), ((), ())),
                           preferred_element_type=jnp.float32)


def _uv_body(phT_ref, cfT_ref, pq_ref, wz_ref, wr_ref, ws_ref,
             bz_ref, br_ref, bs_ref, u_ref, v_ref):
    c = wz_ref.shape[0]
    ph = phT_ref[0]
    cf = cfT_ref[0]
    pt = pq_ref[0]
    us = []
    vs = []
    for w_ref, b_ref, has_cf in ((wz_ref, bz_ref, True),
                                 (wr_ref, br_ref, True),
                                 (ws_ref, bs_ref, False)):
        w = w_ref[...]
        w1 = w[:, :c]
        w3 = w[:, w.shape[1] - 3:]
        pw = _dgT(pt, w3)
        u = _dgT(ph, w1) + pw
        bias = b_ref[...].reshape(1, c)
        if has_cf:
            v = _dgT(cf, w[:, c:2 * c]) - pw + bias
        else:
            v = bias - pw
        us.append(u)
        vs.append(v)
    u_ref[0] = jnp.concatenate(us, axis=1)
    v_ref[0] = jnp.concatenate(vs, axis=1)


def _final_body(g_ref, v_ref, phT_ref, cfT_ref, wfc_ref, bfc_ref, out_ref):
    c = wfc_ref.shape[0]
    g = jnp.maximum(g_ref[0].astype(jnp.float32) + v_ref[0], 0.0)
    z = jax.nn.sigmoid(g[:, :c])
    r = jax.nn.sigmoid(g[:, c:2 * c])
    s_old = g[:, 2 * c:]
    ph = phT_ref[0]
    cf = cfT_ref[0]
    w = wfc_ref[...]
    s_new = jnp.tanh(_dgT(ph, w[:, :c]) + _dgT(r * cf, w[:, c:])
                     + bfc_ref[...].reshape(1, c))
    out_ref[0] = z * s_old + (1.0 - z) * s_new


def _make_sc_gather_max(rows, width, k):
    ncores, nsub = 2, 16
    nw = ncores * nsub
    pts = rows // nw
    lanes = 16
    pairs = pts // 2
    mesh = plsc.VectorSubcoreMesh(core_axis_name="c", subcore_axis_name="s")

    @functools.partial(
        pl.kernel, mesh=mesh,
        out_type=jax.ShapeDtypeStruct((rows, width), jnp.float32),
        scratch_types=[
            pltpu.VMEM((pts, k), jnp.int32),
            pltpu.VMEM((k, width), jnp.float32),
            pltpu.VMEM((k, width), jnp.float32),
            pltpu.VMEM((1, width), jnp.float32),
            pltpu.VMEM((1, width), jnp.float32),
            pltpu.SemaphoreType.DMA,
            pltpu.SemaphoreType.DMA,
            pltpu.SemaphoreType.DMA,
            pltpu.SemaphoreType.DMA,
        ],
    )
    def sc_gather_max(table_hbm, idx_hbm, out_hbm, idx_v, rows_a, rows_b,
                      acc_a, acc_b, sem_a, sem_b, sem_oa, sem_ob):
        wid = lax.axis_index("s") * ncores + lax.axis_index("c")
        base = wid * pts
        pltpu.sync_copy(idx_hbm.at[pl.ds(base, pts)], idx_v)

        def reduce_into(rows_v, acc_v):
            def col_body(j, inner):
                o = j * lanes
                a = rows_v[0, pl.ds(o, lanes)]
                for kk in range(1, k):
                    a = jnp.maximum(a, rows_v[kk, pl.ds(o, lanes)])
                acc_v[0, pl.ds(o, lanes)] = a
                return inner

            lax.fori_loop(0, width // lanes, col_body, 0)

        pltpu.async_copy(table_hbm.at[idx_v.at[0]], rows_a, sem_a)

        def pair_body(p2, carry):
            p = 2 * p2
            pltpu.async_copy(table_hbm.at[idx_v.at[p + 1]], rows_b, sem_b)
            pltpu.make_async_copy(table_hbm.at[idx_v.at[p]], rows_a,
                                  sem_a).wait()

            @pl.when(p2 > 0)
            def _():
                pltpu.make_async_copy(acc_a, out_hbm.at[pl.ds(base, 1)],
                                      sem_oa).wait()

            reduce_into(rows_a, acc_a)
            pltpu.async_copy(acc_a, out_hbm.at[pl.ds(base + p, 1)], sem_oa)

            @pl.when(p2 < pairs - 1)
            def _():
                pltpu.async_copy(table_hbm.at[idx_v.at[p + 2]], rows_a, sem_a)

            pltpu.make_async_copy(table_hbm.at[idx_v.at[p + 1]], rows_b,
                                  sem_b).wait()

            @pl.when(p2 > 0)
            def _():
                pltpu.make_async_copy(acc_b, out_hbm.at[pl.ds(base, 1)],
                                      sem_ob).wait()

            reduce_into(rows_b, acc_b)
            pltpu.async_copy(acc_b, out_hbm.at[pl.ds(base + p + 1, 1)], sem_ob)
            return carry

        lax.fori_loop(0, pairs, pair_body, 0)
        pltpu.make_async_copy(acc_a, out_hbm.at[pl.ds(base, 1)], sem_oa).wait()
        pltpu.make_async_copy(acc_b, out_hbm.at[pl.ds(base, 1)], sem_ob).wait()

    return sc_gather_max


def kernel(cur_f, pre_h, point, Wz, bz, Wr, br, Ws, bs, Wfc, bfc):
    b, c, n = cur_f.shape
    k = _K
    pT = jnp.transpose(point, (0, 2, 1))
    phT = jnp.transpose(pre_h, (0, 2, 1))
    cfT = jnp.transpose(cur_f, (0, 2, 1))
    grid = (b, n // _TN)

    idx = pl.pallas_call(
        _ball_query_body,
        grid=grid,
        in_specs=[
            pl.BlockSpec((1, _TN, 3), lambda bi, i: (bi, i, 0)),
            pl.BlockSpec((1, 3, n), lambda bi, i: (bi, 0, 0)),
        ],
        out_specs=pl.BlockSpec((1, _TN, k), lambda bi, i: (bi, i, 0)),
        out_shape=jax.ShapeDtypeStruct((b, n, k), jnp.int32),
    )(point, pT)

    wfull = lambda shape: pl.BlockSpec(shape, lambda bi, i: tuple(
        0 for _ in shape))
    u, v = pl.pallas_call(
        _uv_body,
        grid=grid,
        in_specs=[
            pl.BlockSpec((1, _TN, c), lambda bi, i: (bi, i, 0)),
            pl.BlockSpec((1, _TN, c), lambda bi, i: (bi, i, 0)),
            pl.BlockSpec((1, _TN, 3), lambda bi, i: (bi, i, 0)),
            wfull(Wz.shape), wfull(Wr.shape), wfull(Ws.shape),
            wfull(bz.shape), wfull(br.shape), wfull(bs.shape),
        ],
        out_specs=[
            pl.BlockSpec((1, _TN, 3 * c), lambda bi, i: (bi, i, 0)),
            pl.BlockSpec((1, _TN, 3 * c), lambda bi, i: (bi, i, 0)),
        ],
        out_shape=[
            jax.ShapeDtypeStruct((b, n, 3 * c), jnp.float32),
            jax.ShapeDtypeStruct((b, n, 3 * c), jnp.float32),
        ],
    )(phT, cfT, point, Wz, Wr, Ws, bz, br, bs)

    sc = _make_sc_gather_max(b * n, 3 * c, k)
    gmax = sc(u.reshape(b * n, 3 * c), idx.reshape(b * n, k))
    gmax = gmax.reshape(b, n, 3 * c)

    s1t = pl.pallas_call(
        _final_body,
        grid=grid,
        in_specs=[
            pl.BlockSpec((1, _TN, 3 * c), lambda bi, i: (bi, i, 0)),
            pl.BlockSpec((1, _TN, 3 * c), lambda bi, i: (bi, i, 0)),
            pl.BlockSpec((1, _TN, c), lambda bi, i: (bi, i, 0)),
            pl.BlockSpec((1, _TN, c), lambda bi, i: (bi, i, 0)),
            wfull(Wfc.shape), wfull(bfc.shape),
        ],
        out_specs=pl.BlockSpec((1, _TN, c), lambda bi, i: (bi, i, 0)),
        out_shape=jax.ShapeDtypeStruct((b, n, c), jnp.float32),
    )(gmax, v, phT, cfT, Wfc, bfc)

    s1 = jnp.transpose(s1t, (0, 2, 1))
    return (s1, s1)

# --- scband reference (transcript-rebuilt; emitter-appended) ---
"""Pipeline reference for scband-point-fra-73735998538274 (READ-ONLY COPY).

The authoritative reference and input builder live on the scoring server;
editing this copy changes nothing except your own understanding.
"""

import jax, jax.numpy as jnp
import numpy as np

RADIUS = 0.5
NSAMPLES = 32


def ball_query(radius, K, P2, P1):
    # P1: queries (B,N,3), P2: data points (B,M,3) -> idx (B,N,K) int32
    # Faithful to pointnet2 CUDA ball_query: first K points (in index order)
    # within radius; remaining slots padded with first found index (0 if none).
    d2 = jnp.sum((P1[:, :, None, :] - P2[:, None, :, :]) ** 2, axis=-1)  # (B,N,M)
    M = P2.shape[1]
    cand = jnp.where(d2 < radius * radius, jnp.arange(M, dtype=jnp.int32)[None, None, :], M)
    sorted_idx = jnp.sort(cand, axis=-1)[..., :K]  # (B,N,K)
    first = sorted_idx[..., :1]
    first = jnp.where(first == M, 0, first)
    idx = jnp.where(sorted_idx == M, first, sorted_idx)
    return idx.astype(jnp.int32)


def grouping(features, idx):
    # features (B,C,M), idx (B,N,K) -> (B,C,N,K)
    return jax.vmap(lambda f, i: f[:, i])(features, idx)


def conv2d_1x1(x, W, b):
    return jnp.einsum('oc,bcnk->bonk', W, x) + b[None, :, None, None]


def st_corr(P1, P2, X1, S2, W, b, radius, K):
    # PointSpatioTemporalCorrelation.forward
    idx = ball_query(radius, K, P2, P1)
    P2f = jnp.transpose(P2, (0, 2, 1))            # (B,3,N)
    P2g = grouping(P2f, idx)                      # (B,3,N,K)
    S2g = grouping(S2, idx)                       # (B,C,N,K)
    P1f = jnp.transpose(P1, (0, 2, 1))            # (B,3,N)
    disp = P2g - P1f[:, :, :, None]               # (B,3,N,K)
    if X1 is not None:
        X1r = jnp.repeat(X1[:, :, :, None], K, axis=3)
        corr = jnp.concatenate([S2g, X1r, disp], axis=1)  # (B,2C+3,N,K)
    else:
        corr = jnp.concatenate([S2g, disp], axis=1)       # (B,C+3,N,K)
    h = jax.nn.relu(conv2d_1x1(corr, W, b))
    return jnp.max(h, axis=-1)                    # (B,C,N)


def setup_inputs(seed: int = 0) -> dict:
    key = jax.random.key(seed)
    B, N, C = 2, 4096, 128
    ks = jax.random.split(key, 8)
    cur_f = jax.random.normal(ks[0], (B, C, N), dtype=jnp.float32)
    pre_h = jax.random.normal(ks[1], (B, C, N), dtype=jnp.float32)
    point = jax.random.normal(ks[2], (B, N, 3), dtype=jnp.float32)
    s = 0.05
    Wz = jax.random.normal(ks[3], (C, 2 * C + 3), dtype=jnp.float32) * s
    bz = jnp.zeros((C,), dtype=jnp.float32)
    Wr = jax.random.normal(ks[4], (C, 2 * C + 3), dtype=jnp.float32) * s
    br = jnp.zeros((C,), dtype=jnp.float32)
    Ws = jax.random.normal(ks[5], (C, C + 3), dtype=jnp.float32) * s
    bs = jnp.zeros((C,), dtype=jnp.float32)
    Wfc = jax.random.normal(ks[6], (C, 2 * C), dtype=jnp.float32) * s
    bfc = jnp.zeros((C,), dtype=jnp.float32)
    return {"cur_f": cur_f, "pre_h": pre_h, "point": point,
            "Wz": Wz, "bz": bz, "Wr": Wr, "br": br,
            "Ws": Ws, "bs": bs, "Wfc": Wfc, "bfc": bfc}


def reference(cur_f, pre_h, point, Wz, bz, Wr, br, Ws, bs, Wfc, bfc):
    # pointFRA.forward with is_step_1=False, pre_h not None, up_ratio=1
    radius, K = RADIUS, NSAMPLES
    P = point
    Z = st_corr(P, P, cur_f, pre_h, Wz, bz, radius, K)
    R = st_corr(P, P, cur_f, pre_h, Wr, br, radius, K)
    Z = jax.nn.sigmoid(Z)
    R = jax.nn.sigmoid(R)
    S_old = st_corr(P, P, None, pre_h, Ws, bs, radius, K)
    S_new = jnp.concatenate([pre_h, R * cur_f], axis=1)        # (B,2C,N)
    S_new = jnp.einsum('oc,bcn->bon', Wfc, S_new) + bfc[None, :, None]
    S_new = jnp.tanh(S_new)
    S1 = Z * S_old + (1 - Z) * S_new
    return (S1, S1)

if __name__ == "__main__":
    import jax
    _d = setup_inputs()
    print(jax.jit(kernel)(*tuple(_d.values())))

</pallas_src>

<mosaic_0001>
#map = affine_map<(d0, d1) -> (0, 0)>
module attributes {stable_mosaic.version = 14 : i64} {
  func.func @sc_gather_max(%arg0: i32, %arg1: i32, %arg2: memref<8192x384xf32, #tpu.memory_space<hbm>>, %arg3: memref<8192x32xi32, #tpu.memory_space<hbm>>, %arg4: memref<8192x384xf32, #tpu.memory_space<hbm>>, %arg5: memref<256x32xi32, #tpu.memory_space<vmem>>, %arg6: memref<32x384xf32, #tpu.memory_space<vmem>>, %arg7: memref<32x384xf32, #tpu.memory_space<vmem>>, %arg8: memref<1x384xf32, #tpu.memory_space<vmem>>, %arg9: memref<1x384xf32, #tpu.memory_space<vmem>>, %arg10: memref<!tpu.dma_semaphore, #tpu.memory_space<semaphore_mem>>, %arg11: memref<!tpu.dma_semaphore, #tpu.memory_space<semaphore_mem>>, %arg12: memref<!tpu.dma_semaphore, #tpu.memory_space<semaphore_mem>>, %arg13: memref<!tpu.dma_semaphore, #tpu.memory_space<semaphore_mem>>) attributes {dimension_semantics = [#tpu.dimension_semantics<core_parallel>, #tpu.dimension_semantics<subcore_parallel>], iteration_bounds = array<i64: 2, 16>, scalar_prefetch = 0 : i64, scratch_operands = 9 : i64, tpu.core_type = #tpu.core_type<sc_vector_subcore>, window_params = [{transform_indices = #map}, {transform_indices = #map}, {transform_indices = #map}]} {
    %mul3A = arith.constant 2 : i32
    %mul3A_0 = arith.muli %arg1, %mul3A : i32
    %add3A = arith.addi %mul3A_0, %arg0 : i32
    %mul3A_1 = arith.constant 256 : i32
    %mul3A_2 = arith.muli %add3A, %mul3A_1 : i32
    "tpu.region"() ({
      %run_scoped3A = tpu.sem_alloc : memref<!tpu.dma_semaphore, #tpu.memory_space<semaphore_mem>>
      %dma_start3A_21 = arith.constant 0 : i32
      %dma_start3A_22 = tpu.memref_slice %arg3[%mul3A_2, %dma_start3A_21] : memref<8192x32xi32, #tpu.memory_space<hbm>> -> memref<256x32xi32, #tpu.memory_space<hbm>>
      %dma_start3A_23 = arith.constant 0 : i32
      %dma_start3A_24 = tpu.memref_slice %arg3[%mul3A_2, %dma_start3A_23] : memref<8192x32xi32, #tpu.memory_space<hbm>> -> memref<256x32xi32, #tpu.memory_space<hbm>>
      tpu.enqueue_dma source(%dma_start3A_24 : memref<256x32xi32, #tpu.memory_space<hbm>>) target(%arg5 : memref<256x32xi32, #tpu.memory_space<vmem>>) target_semaphore(%run_scoped3A : memref<!tpu.dma_semaphore, #tpu.memory_space<semaphore_mem>>)
      %dma_wait3A_25 = arith.constant 0 : i32
      %dma_wait3A_26 = tpu.memref_slice %arg3[%mul3A_2, %dma_wait3A_25] : memref<8192x32xi32, #tpu.memory_space<hbm>> -> memref<256x32xi32, #tpu.memory_space<hbm>>
      %dma_wait3A_27 = arith.constant 0 : i32
      %dma_wait3A_28 = tpu.memref_slice %arg3[%mul3A_2, %dma_wait3A_27] : memref<8192x32xi32, #tpu.memory_space<hbm>> -> memref<256x32xi32, #tpu.memory_space<hbm>>
      tpu.wait_dma2 semaphore(%run_scoped3A : memref<!tpu.dma_semaphore, #tpu.memory_space<semaphore_mem>>) src(%dma_wait3A_28 : memref<256x32xi32, #tpu.memory_space<hbm>>) dst(%arg5 : memref<256x32xi32, #tpu.memory_space<vmem>>)
      tpu.yield
    }) : () -> ()
    %dma_start3A = arith.constant 0 : i32
    %dma_start3A_3 = arith.constant 0 : i32
    %dma_start3A_4 = tpu.memref_slice %arg5[%dma_start3A, %dma_start3A_3] : memref<256x32xi32, #tpu.memory_space<vmem>> -> memref<1x32xi32, #tpu.memory_space<vmem>>
    %dma_start3A_5 = tpu.memref_squeeze %dma_start3A_4 : memref<1x32xi32, #tpu.memory_space<vmem>> -> memref<32xi32, #tpu.memory_space<vmem>>
    %dma_start3A_6 = arith.constant 0 : i32
    %dma_start3A_7 = arith.constant 0 : i32
    %dma_start3A_8 = tpu.memref_slice %arg2[%dma_start3A_6, %dma_start3A_7] : memref<8192x384xf32, #tpu.memory_space<hbm>> -> memref<8192x384xf32, #tpu.memory_space<hbm>>
    tpu.enqueue_indirect_dma source(%dma_start3A_8 : memref<8192x384xf32, #tpu.memory_space<hbm>>) target(%arg6 : memref<32x384xf32, #tpu.memory_space<vmem>>) offsets(%dma_start3A_5 : memref<32xi32, #tpu.memory_space<vmem>>) semaphore(%arg10 : memref<!tpu.dma_semaphore, #tpu.memory_space<semaphore_mem>>)
    %scan3A = arith.constant 0 : i32
    %scan3A_9 = arith.constant 0 : i32
    %scan3A_10 = arith.constant 128 : i32
    %scan3A_11 = arith.addi %scan3A_9, %scan3A_10 : i32
    %scan3A_12 = arith.constant 1 : i32
    scf.for %scan3A_21 = %scan3A_9 to %scan3A_11 step %scan3A_12  : i32 {
      %mul3A_22 = arith.constant 2 : i32
      %mul3A_23 = arith.muli %mul3A_22, %scan3A_21 : i32
      %add3A_24 = arith.constant 1 : i32
      %add3A_25 = arith.addi %mul3A_23, %add3A_24 : i32
      %dma_start3A_26 = arith.constant 0 : i32
      %dma_start3A_27 = tpu.memref_slice %arg5[%add3A_25, %dma_start3A_26] : memref<256x32xi32, #tpu.memory_space<vmem>> -> memref<1x32xi32, #tpu.memory_space<vmem>>
      %dma_start3A_28 = tpu.memref_squeeze %dma_start3A_27 : memref<1x32xi32, #tpu.memory_space<vmem>> -> memref<32xi32, #tpu.memory_space<vmem>>
      %dma_start3A_29 = arith.constant 0 : i32
      %dma_start3A_30 = arith.constant 0 : i32
      %dma_start3A_31 = tpu.memref_slice %arg2[%dma_start3A_29, %dma_start3A_30] : memref<8192x384xf32, #tpu.memory_space<hbm>> -> memref<8192x384xf32, #tpu.memory_space<hbm>>
      tpu.enqueue_indirect_dma source(%dma_start3A_31 : memref<8192x384xf32, #tpu.memory_space<hbm>>) target(%arg7 : memref<32x384xf32, #tpu.memory_space<vmem>>) offsets(%dma_start3A_28 : memref<32xi32, #tpu.memory_space<vmem>>) semaphore(%arg11 : memref<!tpu.dma_semaphore, #tpu.memory_space<semaphore_mem>>)
      %dma_wait3A_32 = arith.constant 0 : i32
      %dma_wait3A_33 = tpu.memref_slice %arg5[%mul3A_23, %dma_wait3A_32] : memref<256x32xi32, #tpu.memory_space<vmem>> -> memref<1x32xi32, #tpu.memory_space<vmem>>
      %dma_wait3A_34 = tpu.memref_squeeze %dma_wait3A_33 : memref<1x32xi32, #tpu.memory_space<vmem>> -> memref<32xi32, #tpu.memory_space<vmem>>
      %dma_wait3A_35 = arith.constant 0 : i32
      %dma_wait3A_36 = arith.constant 0 : i32
      %dma_wait3A_37 = tpu.memref_slice %arg2[%dma_wait3A_35, %dma_wait3A_36] : memref<8192x384xf32, #tpu.memory_space<hbm>> -> memref<8192x384xf32, #tpu.memory_space<hbm>>
      tpu.wait_indirect_dma semaphore(%arg10 : memref<!tpu.dma_semaphore, #tpu.memory_space<semaphore_mem>>) src(%dma_wait3A_37 : memref<8192x384xf32, #tpu.memory_space<hbm>>) dst(%arg6 : memref<32x384xf32, #tpu.memory_space<vmem>>)
      %gt3A = arith.constant 0 : i32
      %gt3A_38 = arith.cmpi sgt, %scan3A_21, %gt3A : i32
      %convert_element_type3A = arith.extui %gt3A_38 : i1 to i32
      %cond3A = arith.constant 0 : i32
      %cond3A_39 = arith.cmpi ne, %convert_element_type3A, %cond3A : i32
      scf.if %cond3A_39 {
        %dma_wait3A_81 = arith.constant 0 : i32
        %dma_wait3A_82 = tpu.memref_slice %arg4[%mul3A_2, %dma_wait3A_81] : memref<8192x384xf32, #tpu.memory_space<hbm>> -> memref<1x384xf32, #tpu.memory_space<hbm>>
        %dma_wait3A_83 = arith.constant 0 : i32
        %dma_wait3A_84 = tpu.memref_slice %arg4[%mul3A_2, %dma_wait3A_83] : memref<8192x384xf32, #tpu.memory_space<hbm>> -> memref<1x384xf32, #tpu.memory_space<hbm>>
        tpu.wait_dma2 semaphore(%arg12 : memref<!tpu.dma_semaphore, #tpu.memory_space<semaphore_mem>>) src(%arg8 : memref<1x384xf32, #tpu.memory_space<vmem>>) dst(%dma_wait3A_84 : memref<1x384xf32, #tpu.memory_space<hbm>>)
      } else {
      }
      %scan3A_40 = arith.constant 0 : i32
      %scan3A_41 = arith.constant 0 : i32
      %scan3A_42 = arith.constant 24 : i32
      %scan3A_43 = arith.addi %scan3A_41, %scan3A_42 : i32
      %scan3A_44 = arith.constant 1 : i32
      scf.for %scan3A_81 = %scan3A_41 to %scan3A_43 step %scan3A_44  : i32 {
        %mul3A_82 = arith.constant 16 : i32
        %mul3A_83 = arith.muli %scan3A_81, %mul3A_82 : i32
        %get3A = arith.constant 0 : i32
        %get3A_84 = arith.index_cast %get3A : i32 to index
        %get3A_85 = arith.index_cast %mul3A_83 : i32 to index
        %get3A_86 = tpu.vector_load %arg6[%get3A_84, %get3A_85] {strides = array<i32>} : memref<32x384xf32, #tpu.memory_space<vmem>>, vector<1x16xf32>,
        %get3A_87 = vector.shape_cast %get3A_86 : vector<1x16xf32> to vector<16xf32>
        %get3A_88 = arith.constant 1 : i32
        %get3A_89 = arith.index_cast %get3A_88 : i32 to index
        %get3A_90 = arith.index_cast %mul3A_83 : i32 to index
        %get3A_91 = tpu.vector_load %arg6[%get3A_89, %get3A_90] {strides = array<i32>} : memref<32x384xf32, #tpu.memory_space<vmem>>, vector<1x16xf32>,
        %get3A_92 = vector.shape_cast %get3A_91 : vector<1x16xf32> to vector<16xf32>
        %max3A = arith.maximumf %get3A_87, %get3A_92 : vector<16xf32>
        %get3A_93 = arith.constant 2 : i32
        %get3A_94 = arith.index_cast %get3A_93 : i32 to index
        %get3A_95 = arith.index_cast %mul3A_83 : i32 to index
        %get3A_96 = tpu.vector_load %arg6[%get3A_94, %get3A_95] {strides = array<i32>} : memref<32x384xf32, #tpu.memory_space<vmem>>, vector<1x16xf32>,
        %get3A_97 = vector.shape_cast %get3A_96 : vector<1x16xf32> to vector<16xf32>
        %max3A_98 = arith.maximumf %max3A, %get3A_97 : vector<16xf32>
        %get3A_99 = arith.constant 3 : i32
        %get3A_100 = arith.index_cast %get3A_99 : i32 to index
        %get3A_101 = arith.index_cast %mul3A_83 : i32 to index
        %get3A_102 = tpu.vector_load %arg6[%get3A_100, %get3A_101] {strides = array<i32>} : memref<32x384xf32, #tpu.memory_space<vmem>>, vector<1x16xf32>,
        %get3A_103 = vector.shape_cast %get3A_102 : vector<1x16xf32> to vector<16xf32>
        %max3A_104 = arith.maximumf %max3A_98, %get3A_103 : vector<16xf32>
        %get3A_105 = arith.constant 4 : i32
        %get3A_106 = arith.index_cast %get3A_105 : i32 to index
        %get3A_107 = arith.index_cast %mul3A_83 : i32 to index
        %get3A_108 = tpu.vector_load %arg6[%get3A_106, %get3A_107] {strides = array<i32>} : memref<32x384xf32, #tpu.memory_space<vmem>>, vector<1x16xf32>,
        %get3A_109 = vector.shape_cast %get3A_108 : vector<1x16xf32> to vector<16xf32>
        %max3A_110 = arith.maximumf %max3A_104, %get3A_109 : vector<16xf32>
        %get3A_111 = arith.constant 5 : i32
        %get3A_112 = arith.index_cast %get3A_111 : i32 to index
        %get3A_113 = arith.index_cast %mul3A_83 : i32 to index
        %get3A_114 = tpu.vector_load %arg6[%get3A_112, %get3A_113] {strides = array<i32>} : memref<32x384xf32, #tpu.memory_space<vmem>>, vector<1x16xf32>,
        %get3A_115 = vector.shape_cast %get3A_114 : vector<1x16xf32> to vector<16xf32>
        %max3A_116 = arith.maximumf %max3A_110, %get3A_115 : vector<16xf32>
        %get3A_117 = arith.constant 6 : i32
        %get3A_118 = arith.index_cast %get3A_117 : i32 to index
        %get3A_119 = arith.index_cast %mul3A_83 : i32 to index
        %get3A_120 = tpu.vector_load %arg6[%get3A_118, %get3A_119] {strides = array<i32>} : memref<32x384xf32, #tpu.memory_space<vmem>>, vector<1x16xf32>,
        %get3A_121 = vector.shape_cast %get3A_120 : vector<1x16xf32> to vector<16xf32>
        %max3A_122 = arith.maximumf %max3A_116, %get3A_121 : vector<16xf32>
        %get3A_123 = arith.constant 7 : i32
        %get3A_124 = arith.index_cast %get3A_123 : i32 to index
        %get3A_125 = arith.index_cast %mul3A_83 : i32 to index
        %get3A_126 = tpu.vector_load %arg6[%get3A_124, %get3A_125] {strides = array<i32>} : memref<32x384xf32, #tpu.memory_space<vmem>>, vector<1x16xf32>,
        %get3A_127 = vector.shape_cast %get3A_126 : vector<1x16xf32> to vector<16xf32>
        %max3A_128 = arith.maximumf %max3A_122, %get3A_127 : vector<16xf32>
        %get3A_129 = arith.constant 8 : i32
        %get3A_130 = arith.index_cast %get3A_129 : i32 to index
        %get3A_131 = arith.index_cast %mul3A_83 : i32 to index
        %get3A_132 = tpu.vector_load %arg6[%get3A_130, %get3A_131] {strides = array<i32>} : memref<32x384xf32, #tpu.memory_space<vmem>>, vector<1x16xf32>,
        %get3A_133 = vector.shape_cast %get3A_132 : vector<1x16xf32> to vector<16xf32>
        %max3A_134 = arith.maximumf %max3A_128, %get3A_133 : vector<16xf32>
        %get3A_135 = arith.constant 9 : i32
        %get3A_136 = arith.index_cast %get3A_135 : i32 to index
        %get3A_137 = arith.index_cast %mul3A_83 : i32 to index
        %get3A_138 = tpu.vector_load %arg6[%get3A_136, %get3A_137] {strides = array<i32>} : memref<32x384xf32, #tpu.memory_space<vmem>>, vector<1x16xf32>,
        %get3A_139 = vector.shape_cast %get3A_138 : vector<1x16xf32> to vector<16xf32>
        %max3A_140 = arith.maximumf %max3A_134, %get3A_139 : vector<16xf32>
        %get3A_141 = arith.constant 10 : i32
        %get3A_142 = arith.index_cast %get3A_141 : i32 to index
        %get3A_143 = arith.index_cast %mul3A_83 : i32 to index
        %get3A_144 = tpu.vector_load %arg6[%get3A_142, %get3A_143] {strides = array<i32>} : memref<32x384xf32, #tpu.memory_space<vmem>>, vector<1x16xf32>,
        %get3A_145 = vector.shape_cast %get3A_144 : vector<1x16xf32> to vector<16xf32>
        %max3A_146 = arith.maximumf %max3A_140, %get3A_145 : vector<16xf32>
        %get3A_147 = arith.constant 11 : i32
        %get3A_148 = arith.index_cast %get3A_147 : i32 to index
        %get3A_149 = arith.index_cast %mul3A_83 : i32 to index
        %get3A_150 = tpu.vector_load %arg6[%get3A_148, %get3A_149] {strides = array<i32>} : memref<32x384xf32, #tpu.memory_space<vmem>>, vector<1x16xf32>,
        %get3A_151 = vector.shape_cast %get3A_150 : vector<1x16xf32> to vector<16xf32>
        %max3A_152 = arith.maximumf %max3A_146, %get3A_151 : vector<16xf32>
        %get3A_153 = arith.constant 12 : i32
        %get3A_154 = arith.index_cast %get3A_153 : i32 to index
        %get3A_155 = arith.index_cast %mul3A_83 : i32 to index
        %get3A_156 = tpu.vector_load %arg6[%get3A_154, %get3A_155] {strides = array<i32>} : memref<32x384xf32, #tpu.memory_space<vmem>>, vector<1x16xf32>,
        %get3A_157 = vector.shape_cast %get3A_156 : vector<1x16xf32> to vector<16xf32>
        %max3A_158 = arith.maximumf %max3A_152, %get3A_157 : vector<16xf32>
        %get3A_159 = arith.constant 13 : i32
        %get3A_160 = arith.index_cast %get3A_159 : i32 to index
        %get3A_161 = arith.index_cast %mul3A_83 : i32 to index
        %get3A_162 = tpu.vector_load %arg6[%get3A_160, %get3A_161] {strides = array<i32>} : memref<32x384xf32, #tpu.memory_space<vmem>>, vector<1x16xf32>,
        %get3A_163 = vector.shape_cast %get3A_162 : vector<1x16xf32> to vector<16xf32>
        %max3A_164 = arith.maximumf %max3A_158, %get3A_163 : vector<16xf32>
        %get3A_165 = arith.constant 14 : i32
        %get3A_166 = arith.index_cast %get3A_165 : i32 to index
        %get3A_167 = arith.index_cast %mul3A_83 : i32 to index
        %get3A_168 = tpu.vector_load %arg6[%get3A_166, %get3A_167] {strides = array<i32>} : memref<32x384xf32, #tpu.memory_space<vmem>>, vector<1x16xf32>,
        %get3A_169 = vector.shape_cast %get3A_168 : vector<1x16xf32> to vector<16xf32>
        %max3A_170 = arith.maximumf %max3A_164, %get3A_169 : vector<16xf32>
        %get3A_171 = arith.constant 15 : i32
        %get3A_172 = arith.index_cast %get3A_171 : i32 to index
        %get3A_173 = arith.index_cast %mul3A_83 : i32 to index
        %get3A_174 = tpu.vector_load %arg6[%get3A_172, %get3A_173] {strides = array<i32>} : memref<32x384xf32, #tpu.memory_space<vmem>>, vector<1x16xf32>,
        %get3A_175 = vector.shape_cast %get3A_174 : vector<1x16xf32> to vector<16xf32>
        %max3A_176 = arith.maximumf %max3A_170, %get3A_175 : vector<16xf32>
        %get3A_177 = arith.constant 16 : i32
        %get3A_178 = arith.index_cast %get3A_177 : i32 to index
        %get3A_179 = arith.index_cast %mul3A_83 : i32 to index
        %get3A_180 = tpu.vector_load %arg6[%get3A_178, %get3A_179] {strides = array<i32>} : memref<32x384xf32, #tpu.memory_space<vmem>>, vector<1x16xf32>,
        %get3A_181 = vector.shape_cast %get3A_180 : vector<1x16xf32> to vector<16xf32>
        %max3A_182 = arith.maximumf %max3A_176, %get3A_181 : vector<16xf32>
        %get3A_183 = arith.constant 17 : i32
        %get3A_184 = arith.index_cast %get3A_183 : i32 to index
        %get3A_185 = arith.index_cast %mul3A_83 : i32 to index
        %get3A_186 = tpu.vector_load %arg6[%get3A_184, %get3A_185] {strides = array<i32>} : memref<32x384xf32, #tpu.memory_space<vmem>>, vector<1x16xf32>,
        %get3A_187 = vector.shape_cast %get3A_186 : vector<1x16xf32> to vector<16xf32>
        %max3A_188 = arith.maximumf %max3A_182, %get3A_187 : vector<16xf32>
        %get3A_189 = arith.constant 18 : i32
        %get3A_190 = arith.index_cast %get3A_189 : i32 to index
        %get3A_191 = arith.index_cast %mul3A_83 : i32 to index
        %get3A_192 = tpu.vector_load %arg6[%get3A_190, %get3A_191] {strides = array<i32>} : memref<32x384xf32, #tpu.memory_space<vmem>>, vector<1x16xf32>,
        %get3A_193 = vector.shape_cast %get3A_192 : vector<1x16xf32> to vector<16xf32>
        %max3A_194 = arith.maximumf %max3A_188, %get3A_193 : vector<16xf32>
        %get3A_195 = arith.constant 19 : i32
        %get3A_196 = arith.index_cast %get3A_195 : i32 to index
        %get3A_197 = arith.index_cast %mul3A_83 : i32 to index
        %get3A_198 = tpu.vector_load %arg6[%get3A_196, %get3A_197] {strides = array<i32>} : memref<32x384xf32, #tpu.memory_space<vmem>>, vector<1x16xf32>,
        %get3A_199 = vector.shape_cast %get3A_198 : vector<1x16xf32> to vector<16xf32>
        %max3A_200 = arith.maximumf %max3A_194, %get3A_199 : vector<16xf32>
        %get3A_201 = arith.constant 20 : i32
        %get3A_202 = arith.index_cast %get3A_201 : i32 to index
        %get3A_203 = arith.index_cast %mul3A_83 : i32 to index
        %get3A_204 = tpu.vector_load %arg6[%get3A_202, %get3A_203] {strides = array<i32>} : memref<32x384xf32, #tpu.memory_space<vmem>>, vector<1x16xf32>,
        %get3A_205 = vector.shape_cast %get3A_204 : vector<1x16xf32> to vector<16xf32>
        %max3A_206 = arith.maximumf %max3A_200, %get3A_205 : vector<16xf32>
        %get3A_207 = arith.constant 21 : i32
        %get3A_208 = arith.index_cast %get3A_207 : i32 to index
        %get3A_209 = arith.index_cast %mul3A_83 : i32 to index
        %get3A_210 = tpu.vector_load %arg6[%get3A_208, %get3A_209] {strides = array<i32>} : memref<32x384xf32, #tpu.memory_space<vmem>>, vector<1x16xf32>,
        %get3A_211 = vector.shape_cast %get3A_210 : vector<1x16xf32> to vector<16xf32>
        %max3A_212 = arith.maximumf %max3A_206, %get3A_211 : vector<16xf32>
        %get3A_213 = arith.constant 22 : i32
        %get3A_214 = arith.index_cast %get3A_213 : i32 to index
        %get3A_215 = arith.index_cast %mul3A_83 : i32 to index
        %get3A_216 = tpu.vector_load %arg6[%get3A_214, %get3A_215] {strides = array<i32>} : memref<32x384xf32, #tpu.memory_space<vmem>>, vector<1x16xf32>,
        %get3A_217 = vector.shape_cast %get3A_216 : vector<1x16xf32> to vector<16xf32>
        %max3A_218 = arith.maximumf %max3A_212, %get3A_217 : vector<16xf32>
        %get3A_219 = arith.constant 23 : i32
        %get3A_220 = arith.index_cast %get3A_219 : i32 to index
        %get3A_221 = arith.index_cast %mul3A_83 : i32 to index
        %get3A_222 = tpu.vector_load %arg6[%get3A_220, %get3A_221] {strides = array<i32>} : memref<32x384xf32, #tpu.memory_space<vmem>>, vector<1x16xf32>,
        %get3A_223 = vector.shape_cast %get3A_222 : vector<1x16xf32> to vector<16xf32>
        %max3A_224 = arith.maximumf %max3A_218, %get3A_223 : vector<16xf32>
        %get3A_225 = arith.constant 24 : i32
        %get3A_226 = arith.index_cast %get3A_225 : i32 to index
        %get3A_227 = arith.index_cast %mul3A_83 : i32 to index
        %get3A_228 = tpu.vector_load %arg6[%get3A_226, %get3A_227] {strides = array<i32>} : memref<32x384xf32, #tpu.memory_space<vmem>>, vector<1x16xf32>,
        %get3A_229 = vector.shape_cast %get3A_228 : vector<1x16xf32> to vector<16xf32>
        %max3A_230 = arith.maximumf %max3A_224, %get3A_229 : vector<16xf32>
        %get3A_231 = arith.constant 25 : i32
        %get3A_232 = arith.index_cast %get3A_231 : i32 to index
        %get3A_233 = arith.index_cast %mul3A_83 : i32 to index
        %get3A_234 = tpu.vector_load %arg6[%get3A_232, %get3A_233] {strides = array<i32>} : memref<32x384xf32, #tpu.memory_space<vmem>>, vector<1x16xf32>,
        %get3A_235 = vector.shape_cast %get3A_234 : vector<1x16xf32> to vector<16xf32>
        %max3A_236 = arith.maximumf %max3A_230, %get3A_235 : vector<16xf32>
        %get3A_237 = arith.constant 26 : i32
        %get3A_238 = arith.index_cast %get3A_237 : i32 to index
        %get3A_239 = arith.index_cast %mul3A_83 : i32 to index
        %get3A_240 = tpu.vector_load %arg6[%get3A_238, %get3A_239] {strides = array<i32>} : memref<32x384xf32, #tpu.memory_space<vmem>>, vector<1x16xf32>,
        %get3A_241 = vector.shape_cast %get3A_240 : vector<1x16xf32> to vector<16xf32>
        %max3A_242 = arith.maximumf %max3A_236, %get3A_241 : vector<16xf32>
        %get3A_243 = arith.constant 27 : i32
        %get3A_244 = arith.index_cast %get3A_243 : i32 to index
        %get3A_245 = arith.index_cast %mul3A_83 : i32 to index
        %get3A_246 = tpu.vector_load %arg6[%get3A_244, %get3A_245] {strides = array<i32>} : memref<32x384xf32, #tpu.memory_space<vmem>>, vector<1x16xf32>,
        %get3A_247 = vector.shape_cast %get3A_246 : vector<1x16xf32> to vector<16xf32>
        %max3A_248 = arith.maximumf %max3A_242, %get3A_247 : vector<16xf32>
        %get3A_249 = arith.constant 28 : i32
        %get3A_250 = arith.index_cast %get3A_249 : i32 to index
        %get3A_251 = arith.index_cast %mul3A_83 : i32 to index
        %get3A_252 = tpu.vector_load %arg6[%get3A_250, %get3A_251] {strides = array<i32>} : memref<32x384xf32, #tpu.memory_space<vmem>>, vector<1x16xf32>,
        %get3A_253 = vector.shape_cast %get3A_252 : vector<1x16xf32> to vector<16xf32>
        %max3A_254 = arith.maximumf %max3A_248, %get3A_253 : vector<16xf32>
        %get3A_255 = arith.constant 29 : i32
        %get3A_256 = arith.index_cast %get3A_255 : i32 to index
        %get3A_257 = arith.index_cast %mul3A_83 : i32 to index
        %get3A_258 = tpu.vector_load %arg6[%get3A_256, %get3A_257] {strides = array<i32>} : memref<32x384xf32, #tpu.memory_space<vmem>>, vector<1x16xf32>,
        %get3A_259 = vector.shape_cast %get3A_258 : vector<1x16xf32> to vector<16xf32>
        %max3A_260 = arith.maximumf %max3A_254, %get3A_259 : vector<16xf32>
        %get3A_261 = arith.constant 30 : i32
        %get3A_262 = arith.index_cast %get3A_261 : i32 to index
        %get3A_263 = arith.index_cast %mul3A_83 : i32 to index
        %get3A_264 = tpu.vector_load %arg6[%get3A_262, %get3A_263] {strides = array<i32>} : memref<32x384xf32, #tpu.memory_space<vmem>>, vector<1x16xf32>,
        %get3A_265 = vector.shape_cast %get3A_264 : vector<1x16xf32> to vector<16xf32>
        %max3A_266 = arith.maximumf %max3A_260, %get3A_265 : vector<16xf32>
        %get3A_267 = arith.constant 31 : i32
        %get3A_268 = arith.index_cast %get3A_267 : i32 to index
        %get3A_269 = arith.index_cast %mul3A_83 : i32 to index
        %get3A_270 = tpu.vector_load %arg6[%get3A_268, %get3A_269] {strides = array<i32>} : memref<32x384xf32, #tpu.memory_space<vmem>>, vector<1x16xf32>,
        %get3A_271 = vector.shape_cast %get3A_270 : vector<1x16xf32> to vector<16xf32>
        %max3A_272 = arith.maximumf %max3A_266, %get3A_271 : vector<16xf32>
        %swap3A = arith.constant 0 : i32
        %swap3A_273 = arith.index_cast %swap3A : i32 to index
        %swap3A_274 = arith.index_cast %mul3A_83 : i32 to index
        %swap3A_275 = tpu.vector_load %arg8[%swap3A_273, %swap3A_274] {strides = array<i32>} : memref<1x384xf32, #tpu.memory_space<vmem>>, vector<1x16xf32>,
        %swap3A_276 = vector.shape_cast %swap3A_275 : vector<1x16xf32> to vector<16xf32>
        %swap3A_277 = vector.shape_cast %max3A_272 : vector<16xf32> to vector<1x16xf32>
        tpu.vector_store %arg8[%swap3A_273, %swap3A_274], %swap3A_277 {strides = array<i32>} : memref<1x384xf32, #tpu.memory_space<vmem>>, vector<1x16xf32>,
      }
      %scan3A_45 = arith.constant 24 : i32
      %add3A_46 = arith.addi %mul3A_2, %mul3A_23 : i32
      %dma_start3A_47 = arith.constant 0 : i32
      %dma_start3A_48 = tpu.memref_slice %arg4[%add3A_46, %dma_start3A_47] : memref<8192x384xf32, #tpu.memory_space<hbm>> -> memref<1x384xf32, #tpu.memory_space<hbm>>
      %dma_start3A_49 = arith.constant 0 : i32
      %dma_start3A_50 = tpu.memref_slice %arg4[%add3A_46, %dma_start3A_49] : memref<8192x384xf32, #tpu.memory_space<hbm>> -> memref<1x384xf32, #tpu.memory_space<hbm>>
      tpu.enqueue_dma source(%arg8 : memref<1x384xf32, #tpu.memory_space<vmem>>) target(%dma_start3A_50 : memref<1x384xf32, #tpu.memory_space<hbm>>) target_semaphore(%arg12 : memref<!tpu.dma_semaphore, #tpu.memory_space<semaphore_mem>>)
      %lt3A = arith.constant 127 : i32
      %lt3A_51 = arith.cmpi slt, %scan3A_21, %lt3A : i32
      %convert_element_type3A_52 = arith.extui %lt3A_51 : i1 to i32
      %cond3A_53 = arith.constant 0 : i32
      %cond3A_54 = arith.cmpi ne, %convert_element_type3A_52, %cond3A_53 : i32
      scf.if %cond3A_54 {
        %add3A_81 = arith.constant 2 : i32
        %add3A_82 = arith.addi %mul3A_23, %add3A_81 : i32
        %dma_start3A_83 = arith.constant 0 : i32
        %dma_start3A_84 = tpu.memref_slice %arg5[%add3A_82, %dma_start3A_83] : memref<256x32xi32, #tpu.memory_space<vmem>> -> memref<1x32xi32, #tpu.memory_space<vmem>>
        %dma_start3A_85 = tpu.memref_squeeze %dma_start3A_84 : memref<1x32xi32, #tpu.memory_space<vmem>> -> memref<32xi32, #tpu.memory_space<vmem>>
        %dma_start3A_86 = arith.constant 0 : i32
        %dma_start3A_87 = arith.constant 0 : i32
        %dma_start3A_88 = tpu.memref_slice %arg2[%dma_start3A_86, %dma_start3A_87] : memref<8192x384xf32, #tpu.memory_space<hbm>> -> memref<8192x384xf32, #tpu.memory_space<hbm>>
        tpu.enqueue_indirect_dma source(%dma_start3A_88 : memref<8192x384xf32, #tpu.memory_space<hbm>>) target(%arg6 : memref<32x384xf32, #tpu.memory_space<vmem>>) offsets(%dma_start3A_85 : memref<32xi32, #tpu.memory_space<vmem>>) semaphore(%arg10 : memref<!tpu.dma_semaphore, #tpu.memory_space<semaphore_mem>>)
      } else {
      }
      %add3A_55 = arith.constant 1 : i32
      %add3A_56 = arith.addi %mul3A_23, %add3A_55 : i32
      %dma_wait3A_57 = arith.constant 0 : i32
      %dma_wait3A_58 = tpu.memref_slice %arg5[%add3A_56, %dma_wait3A_57] : memref<256x32xi32, #tpu.memory_space<vmem>> -> memref<1x32xi32, #tpu.memory_space<vmem>>
      %dma_wait3A_59 = tpu.memref_squeeze %dma_wait3A_58 : memref<1x32xi32, #tpu.memory_space<vmem>> -> memref<32xi32, #tpu.memory_space<vmem>>
      %dma_wait3A_60 = arith.constant 0 : i32
      %dma_wait3A_61 = arith.constant 0 : i32
      %dma_wait3A_62 = tpu.memref_slice %arg2[%dma_wait3A_60, %dma_wait3A_61] : memref<8192x384xf32, #tpu.memory_space<hbm>> -> memref<8192x384xf32, #tpu.memory_space<hbm>>
      tpu.wait_indirect_dma semaphore(%arg11 : memref<!tpu.dma_semaphore, #tpu.memory_space<semaphore_mem>>) src(%dma_wait3A_62 : memref<8192x384xf32, #tpu.memory_space<hbm>>) dst(%arg7 : memref<32x384xf32, #tpu.memory_space<vmem>>)
      %gt3A_63 = arith.constant 0 : i32
      %gt3A_64 = arith.cmpi sgt, %scan3A_21, %gt3A_63 : i32
      %convert_element_type3A_65 = arith.extui %gt3A_64 : i1 to i32
      %cond3A_66 = arith.constant 0 : i32
      %cond3A_67 = arith.cmpi ne, %convert_element_type3A_65, %cond3A_66 : i32
      scf.if %cond3A_67 {
        %dma_wait3A_81 = arith.constant 0 : i32
        %dma_wait3A_82 = tpu.memref_slice %arg4[%mul3A_2, %dma_wait3A_81] : memref<8192x384xf32, #tpu.memory_space<hbm>> -> memref<1x384xf32, #tpu.memory_space<hbm>>
        %dma_wait3A_83 = arith.constant 0 : i32
        %dma_wait3A_84 = tpu.memref_slice %arg4[%mul3A_2, %dma_wait3A_83] : memref<8192x384xf32, #tpu.memory_space<hbm>> -> memref<1x384xf32, #tpu.memory_space<hbm>>
        tpu.wait_dma2 semaphore(%arg13 : memref<!tpu.dma_semaphore, #tpu.memory_space<semaphore_mem>>) src(%arg9 : memref<1x384xf32, #tpu.memory_space<vmem>>) dst(%dma_wait3A_84 : memref<1x384xf32, #tpu.memory_space<hbm>>)
      } else {
      }
      %scan3A_68 = arith.constant 0 : i32
      %scan3A_69 = arith.constant 0 : i32
      %scan3A_70 = arith.constant 24 : i32
      %scan3A_71 = arith.addi %scan3A_69, %scan3A_70 : i32
      %scan3A_72 = arith.constant 1 : i32
      scf.for %scan3A_81 = %scan3A_69 to %scan3A_71 step %scan3A_72  : i32 {
        %mul3A_82 = arith.constant 16 : i32
        %mul3A_83 = arith.muli %scan3A_81, %mul3A_82 : i32
        %get3A = arith.constant 0 : i32
        %get3A_84 = arith.index_cast %get3A : i32 to index
        %get3A_85 = arith.index_cast %mul3A_83 : i32 to index
        %get3A_86 = tpu.vector_load %arg7[%get3A_84, %get3A_85] {strides = array<i32>} : memref<32x384xf32, #tpu.memory_space<vmem>>, vector<1x16xf32>,
        %get3A_87 = vector.shape_cast %get3A_86 : vector<1x16xf32> to vector<16xf32>
        %get3A_88 = arith.constant 1 : i32
        %get3A_89 = arith.index_cast %get3A_88 : i32 to index
        %get3A_90 = arith.index_cast %mul3A_83 : i32 to index
        %get3A_91 = tpu.vector_load %arg7[%get3A_89, %get3A_90] {strides = array<i32>} : memref<32x384xf32, #tpu.memory_space<vmem>>, vector<1x16xf32>,
        %get3A_92 = vector.shape_cast %get3A_91 : vector<1x16xf32> to vector<16xf32>
        %max3A = arith.maximumf %get3A_87, %get3A_92 : vector<16xf32>
        %get3A_93 = arith.constant 2 : i32
        %get3A_94 = arith.index_cast %get3A_93 : i32 to index
        %get3A_95 = arith.index_cast %mul3A_83 : i32 to index
        %get3A_96 = tpu.vector_load %arg7[%get3A_94, %get3A_95] {strides = array<i32>} : memref<32x384xf32, #tpu.memory_space<vmem>>, vector<1x16xf32>,
        %get3A_97 = vector.shape_cast %get3A_96 : vector<1x16xf32> to vector<16xf32>
        %max3A_98 = arith.maximumf %max3A, %get3A_97 : vector<16xf32>
        %get3A_99 = arith.constant 3 : i32
        %get3A_100 = arith.index_cast %get3A_99 : i32 to index
        %get3A_101 = arith.index_cast %mul3A_83 : i32 to index
        %get3A_102 = tpu.vector_load %arg7[%get3A_100, %get3A_101] {strides = array<i32>} : memref<32x384xf32, #tpu.memory_space<vmem>>, vector<1x16xf32>,
        %get3A_103 = vector.shape_cast %get3A_102 : vector<1x16xf32> to vector<16xf32>
        %max3A_104 = arith.maximumf %max3A_98, %get3A_103 : vector<16xf32>
        %get3A_105 = arith.constant 4 : i32
        %get3A_106 = arith.index_cast %get3A_105 : i32 to index
        %get3A_107 = arith.index_cast %mul3A_83 : i32 to index
        %get3A_108 = tpu.vector_load %arg7[%get3A_106, %get3A_107] {strides = array<i32>} : memref<32x384xf32, #tpu.memory_space<vmem>>, vector<1x16xf32>,
        %get3A_109 = vector.shape_cast %get3A_108 : vector<1x16xf32> to vector<16xf32>
        %max3A_110 = arith.maximumf %max3A_104, %get3A_109 : vector<16xf32>
        %get3A_111 = arith.constant 5 : i32
        %get3A_112 = arith.index_cast %get3A_111 : i32 to index
        %get3A_113 = arith.index_cast %mul3A_83 : i32 to index
        %get3A_114 = tpu.vector_load %arg7[%get3A_112, %get3A_113] {strides = array<i32>} : memref<32x384xf32, #tpu.memory_space<vmem>>, vector<1x16xf32>,
        %get3A_115 = vector.shape_cast %get3A_114 : vector<1x16xf32> to vector<16xf32>
        %max3A_116 = arith.maximumf %max3A_110, %get3A_115 : vector<16xf32>
        %get3A_117 = arith.constant 6 : i32
        %get3A_118 = arith.index_cast %get3A_117 : i32 to index
        %get3A_119 = arith.index_cast %mul3A_83 : i32 to index
        %get3A_120 = tpu.vector_load %arg7[%get3A_118, %get3A_119] {strides = array<i32>} : memref<32x384xf32, #tpu.memory_space<vmem>>, vector<1x16xf32>,
        %get3A_121 = vector.shape_cast %get3A_120 : vector<1x16xf32> to vector<16xf32>
        %max3A_122 = arith.maximumf %max3A_116, %get3A_121 : vector<16xf32>
        %get3A_123 = arith.constant 7 : i32
        %get3A_124 = arith.index_cast %get3A_123 : i32 to index
        %get3A_125 = arith.index_cast %mul3A_83 : i32 to index
        %get3A_126 = tpu.vector_load %arg7[%get3A_124, %get3A_125] {strides = array<i32>} : memref<32x384xf32, #tpu.memory_space<vmem>>, vector<1x16xf32>,
        %get3A_127 = vector.shape_cast %get3A_126 : vector<1x16xf32> to vector<16xf32>
        %max3A_128 = arith.maximumf %max3A_122, %get3A_127 : vector<16xf32>
        %get3A_129 = arith.constant 8 : i32
        %get3A_130 = arith.index_cast %get3A_129 : i32 to index
        %get3A_131 = arith.index_cast %mul3A_83 : i32 to index
        %get3A_132 = tpu.vector_load %arg7[%get3A_130, %get3A_131] {strides = array<i32>} : memref<32x384xf32, #tpu.memory_space<vmem>>, vector<1x16xf32>,
        %get3A_133 = vector.shape_cast %get3A_132 : vector<1x16xf32> to vector<16xf32>
        %max3A_134 = arith.maximumf %max3A_128, %get3A_133 : vector<16xf32>
        %get3A_135 = arith.constant 9 : i32
        %get3A_136 = arith.index_cast %get3A_135 : i32 to index
        %get3A_137 = arith.index_cast %mul3A_83 : i32 to index
        %get3A_138 = tpu.vector_load %arg7[%get3A_136, %get3A_137] {strides = array<i32>} : memref<32x384xf32, #tpu.memory_space<vmem>>, vector<1x16xf32>,
        %get3A_139 = vector.shape_cast %get3A_138 : vector<1x16xf32> to vector<16xf32>
        %max3A_140 = arith.maximumf %max3A_134, %get3A_139 : vector<16xf32>
        %get3A_141 = arith.constant 10 : i32
        %get3A_142 = arith.index_cast %get3A_141 : i32 to index
        %get3A_143 = arith.index_cast %mul3A_83 : i32 to index
        %get3A_144 = tpu.vector_load %arg7[%get3A_142, %get3A_143] {strides = array<i32>} : memref<32x384xf32, #tpu.memory_space<vmem>>, vector<1x16xf32>,
        %get3A_145 = vector.shape_cast %get3A_144 : vector<1x16xf32> to vector<16xf32>
        %max3A_146 = arith.maximumf %max3A_140, %get3A_145 : vector<16xf32>
        %get3A_147 = arith.constant 11 : i32
        %get3A_148 = arith.index_cast %get3A_147 : i32 to index
        %get3A_149 = arith.index_cast %mul3A_83 : i32 to index
        %get3A_150 = tpu.vector_load %arg7[%get3A_148, %get3A_149] {strides = array<i32>} : memref<32x384xf32, #tpu.memory_space<vmem>>, vector<1x16xf32>,
        %get3A_151 = vector.shape_cast %get3A_150 : vector<1x16xf32> to vector<16xf32>
        %max3A_152 = arith.maximumf %max3A_146, %get3A_151 : vector<16xf32>
        %get3A_153 = arith.constant 12 : i32
        %get3A_154 = arith.index_cast %get3A_153 : i32 to index
        %get3A_155 = arith.index_cast %mul3A_83 : i32 to index
        %get3A_156 = tpu.vector_load %arg7[%get3A_154, %get3A_155] {strides = array<i32>} : memref<32x384xf32, #tpu.memory_space<vmem>>, vector<1x16xf32>,
        %get3A_157 = vector.shape_cast %get3A_156 : vector<1x16xf32> to vector<16xf32>
        %max3A_158 = arith.maximumf %max3A_152, %get3A_157 : vector<16xf32>
        %get3A_159 = arith.constant 13 : i32
        %get3A_160 = arith.index_cast %get3A_159 : i32 to index
        %get3A_161 = arith.index_cast %mul3A_83 : i32 to index
        %get3A_162 = tpu.vector_load %arg7[%get3A_160, %get3A_161] {strides = array<i32>} : memref<32x384xf32, #tpu.memory_space<vmem>>, vector<1x16xf32>,
        %get3A_163 = vector.shape_cast %get3A_162 : vector<1x16xf32> to vector<16xf32>
        %max3A_164 = arith.maximumf %max3A_158, %get3A_163 : vector<16xf32>
        %get3A_165 = arith.constant 14 : i32
        %get3A_166 = arith.index_cast %get3A_165 : i32 to index
        %get3A_167 = arith.index_cast %mul3A_83 : i32 to index
        %get3A_168 = tpu.vector_load %arg7[%get3A_166, %get3A_167] {strides = array<i32>} : memref<32x384xf32, #tpu.memory_space<vmem>>, vector<1x16xf32>,
        %get3A_169 = vector.shape_cast %get3A_168 : vector<1x16xf32> to vector<16xf32>
        %max3A_170 = arith.maximumf %max3A_164, %get3A_169 : vector<16xf32>
        %get3A_171 = arith.constant 15 : i32
        %get3A_172 = arith.index_cast %get3A_171 : i32 to index
        %get3A_173 = arith.index_cast %mul3A_83 : i32 to index
        %get3A_174 = tpu.vector_load %arg7[%get3A_172, %get3A_173] {strides = array<i32>} : memref<32x384xf32, #tpu.memory_space<vmem>>, vector<1x16xf32>,
        %get3A_175 = vector.shape_cast %get3A_174 : vector<1x16xf32> to vector<16xf32>
        %max3A_176 = arith.maximumf %max3A_170, %get3A_175 : vector<16xf32>
        %get3A_177 = arith.constant 16 : i32
        %get3A_178 = arith.index_cast %get3A_177 : i32 to index
        %get3A_179 = arith.index_cast %mul3A_83 : i32 to index
        %get3A_180 = tpu.vector_load %arg7[%get3A_178, %get3A_179] {strides = array<i32>} : memref<32x384xf32, #tpu.memory_space<vmem>>, vector<1x16xf32>,
        %get3A_181 = vector.shape_cast %get3A_180 : vector<1x16xf32> to vector<16xf32>
        %max3A_182 = arith.maximumf %max3A_176, %get3A_181 : vector<16xf32>
        %get3A_183 = arith.constant 17 : i32
        %get3A_184 = arith.index_cast %get3A_183 : i32 to index
        %get3A_185 = arith.index_cast %mul3A_83 : i32 to index
        %get3A_186 = tpu.vector_load %arg7[%get3A_184, %get3A_185] {strides = array<i32>} : memref<32x384xf32, #tpu.memory_space<vmem>>, vector<1x16xf32>,
        %get3A_187 = vector.shape_cast %get3A_186 : vector<1x16xf32> to vector<16xf32>
        %max3A_188 = arith.maximumf %max3A_182, %get3A_187 : vector<16xf32>
        %get3A_189 = arith.constant 18 : i32
        %get3A_190 = arith.index_cast %get3A_189 : i32 to index
        %get3A_191 = arith.index_cast %mul3A_83 : i32 to index
        %get3A_192 = tpu.vector_load %arg7[%get3A_190, %get3A_191] {strides = array<i32>} : memref<32x384xf32, #tpu.memory_space<vmem>>, vector<1x16xf32>,
        %get3A_193 = vector.shape_cast %get3A_192 : vector<1x16xf32> to vector<16xf32>
        %max3A_194 = arith.maximumf %max3A_188, %get3A_193 : vector<16xf32>
        %get3A_195 = arith.constant 19 : i32
        %get3A_196 = arith.index_cast %get3A_195 : i32 to index
        %get3A_197 = arith.index_cast %mul3A_83 : i32 to index
        %get3A_198 = tpu.vector_load %arg7[%get3A_196, %get3A_197] {strides = array<i32>} : memref<32x384xf32, #tpu.memory_space<vmem>>, vector<1x16xf32>,
        %get3A_199 = vector.shape_cast %get3A_198 : vector<1x16xf32> to vector<16xf32>
        %max3A_200 = arith.maximumf %max3A_194, %get3A_199 : vector<16xf32>
        %get3A_201 = arith.constant 20 : i32
        %get3A_202 = arith.index_cast %get3A_201 : i32 to index
        %get3A_203 = arith.index_cast %mul3A_83 : i32 to index
        %get3A_204 = tpu.vector_load %arg7[%get3A_202, %get3A_203] {strides = array<i32>} : memref<32x384xf32, #tpu.memory_space<vmem>>, vector<1x16xf32>,
        %get3A_205 = vector.shape_cast %get3A_204 : vector<1x16xf32> to vector<16xf32>
        %max3A_206 = arith.maximumf %max3A_200, %get3A_205 : vector<16xf32>
        %get3A_207 = arith.constant 21 : i32
        %get3A_208 = arith.index_cast %get3A_207 : i32 to index
        %get3A_209 = arith.index_cast %mul3A_83 : i32 to index
        %get3A_210 = tpu.vector_load %arg7[%get3A_208, %get3A_209] {strides = array<i32>} : memref<32x384xf32, #tpu.memory_space<vmem>>, vector<1x16xf32>,
        %get3A_211 = vector.shape_cast %get3A_210 : vector<1x16xf32> to vector<16xf32>
        %max3A_212 = arith.maximumf %max3A_206, %get3A_211 : vector<16xf32>
        %get3A_213 = arith.constant 22 : i32
        %get3A_214 = arith.index_cast %get3A_213 : i32 to index
        %get3A_215 = arith.index_cast %mul3A_83 : i32 to index
        %get3A_216 = tpu.vector_load %arg7[%get3A_214, %get3A_215] {strides = array<i32>} : memref<32x384xf32, #tpu.memory_space<vmem>>, vector<1x16xf32>,
        %get3A_217 = vector.shape_cast %get3A_216 : vector<1x16xf32> to vector<16xf32>
        %max3A_218 = arith.maximumf %max3A_212, %get3A_217 : vector<16xf32>
        %get3A_219 = arith.constant 23 : i32
        %get3A_220 = arith.index_cast %get3A_219 : i32 to index
        %get3A_221 = arith.index_cast %mul3A_83 : i32 to index
        %get3A_222 = tpu.vector_load %arg7[%get3A_220, %get3A_221] {strides = array<i32>} : memref<32x384xf32, #tpu.memory_space<vmem>>, vector<1x16xf32>,
        %get3A_223 = vector.shape_cast %get3A_222 : vector<1x16xf32> to vector<16xf32>
        %max3A_224 = arith.maximumf %max3A_218, %get3A_223 : vector<16xf32>
        %get3A_225 = arith.constant 24 : i32
        %get3A_226 = arith.index_cast %get3A_225 : i32 to index
        %get3A_227 = arith.index_cast %mul3A_83 : i32 to index
        %get3A_228 = tpu.vector_load %arg7[%get3A_226, %get3A_227] {strides = array<i32>} : memref<32x384xf32, #tpu.memory_space<vmem>>, vector<1x16xf32>,
        %get3A_229 = vector.shape_cast %get3A_228 : vector<1x16xf32> to vector<16xf32>
        %max3A_230 = arith.maximumf %max3A_224, %get3A_229 : vector<16xf32>
        %get3A_231 = arith.constant 25 : i32
        %get3A_232 = arith.index_cast %get3A_231 : i32 to index
        %get3A_233 = arith.index_cast %mul3A_83 : i32 to index
        %get3A_234 = tpu.vector_load %arg7[%get3A_232, %get3A_233] {strides = array<i32>} : memref<32x384xf32, #tpu.memory_space<vmem>>, vector<1x16xf32>,
        %get3A_235 = vector.shape_cast %get3A_234 : vector<1x16xf32> to vector<16xf32>
        %max3A_236 = arith.maximumf %max3A_230, %get3A_235 : vector<16xf32>
        %get3A_237 = arith.constant 26 : i32
        %get3A_238 = arith.index_cast %get3A_237 : i32 to index
        %get3A_239 = arith.index_cast %mul3A_83 : i32 to index
        %get3A_240 = tpu.vector_load %arg7[%get3A_238, %get3A_239] {strides = array<i32>} : memref<32x384xf32, #tpu.memory_space<vmem>>, vector<1x16xf32>,
        %get3A_241 = vector.shape_cast %get3A_240 : vector<1x16xf32> to vector<16xf32>
        %max3A_242 = arith.maximumf %max3A_236, %get3A_241 : vector<16xf32>
        %get3A_243 = arith.constant 27 : i32
        %get3A_244 = arith.index_cast %get3A_243 : i32 to index
        %get3A_245 = arith.index_cast %mul3A_83 : i32 to index
        %get3A_246 = tpu.vector_load %arg7[%get3A_244, %get3A_245] {strides = array<i32>} : memref<32x384xf32, #tpu.memory_space<vmem>>, vector<1x16xf32>,
        %get3A_247 = vector.shape_cast %get3A_246 : vector<1x16xf32> to vector<16xf32>
        %max3A_248 = arith.maximumf %max3A_242, %get3A_247 : vector<16xf32>
        %get3A_249 = arith.constant 28 : i32
        %get3A_250 = arith.index_cast %get3A_249 : i32 to index
        %get3A_251 = arith.index_cast %mul3A_83 : i32 to index
        %get3A_252 = tpu.vector_load %arg7[%get3A_250, %get3A_251] {strides = array<i32>} : memref<32x384xf32, #tpu.memory_space<vmem>>, vector<1x16xf32>,
        %get3A_253 = vector.shape_cast %get3A_252 : vector<1x16xf32> to vector<16xf32>
        %max3A_254 = arith.maximumf %max3A_248, %get3A_253 : vector<16xf32>
        %get3A_255 = arith.constant 29 : i32
        %get3A_256 = arith.index_cast %get3A_255 : i32 to index
        %get3A_257 = arith.index_cast %mul3A_83 : i32 to index
        %get3A_258 = tpu.vector_load %arg7[%get3A_256, %get3A_257] {strides = array<i32>} : memref<32x384xf32, #tpu.memory_space<vmem>>, vector<1x16xf32>,
        %get3A_259 = vector.shape_cast %get3A_258 : vector<1x16xf32> to vector<16xf32>
        %max3A_260 = arith.maximumf %max3A_254, %get3A_259 : vector<16xf32>
        %get3A_261 = arith.constant 30 : i32
        %get3A_262 = arith.index_cast %get3A_261 : i32 to index
        %get3A_263 = arith.index_cast %mul3A_83 : i32 to index
        %get3A_264 = tpu.vector_load %arg7[%get3A_262, %get3A_263] {strides = array<i32>} : memref<32x384xf32, #tpu.memory_space<vmem>>, vector<1x16xf32>,
        %get3A_265 = vector.shape_cast %get3A_264 : vector<1x16xf32> to vector<16xf32>
        %max3A_266 = arith.maximumf %max3A_260, %get3A_265 : vector<16xf32>
        %get3A_267 = arith.constant 31 : i32
        %get3A_268 = arith.index_cast %get3A_267 : i32 to index
        %get3A_269 = arith.index_cast %mul3A_83 : i32 to index
        %get3A_270 = tpu.vector_load %arg7[%get3A_268, %get3A_269] {strides = array<i32>} : memref<32x384xf32, #tpu.memory_space<vmem>>, vector<1x16xf32>,
        %get3A_271 = vector.shape_cast %get3A_270 : vector<1x16xf32> to vector<16xf32>
        %max3A_272 = arith.maximumf %max3A_266, %get3A_271 : vector<16xf32>
        %swap3A = arith.constant 0 : i32
        %swap3A_273 = arith.index_cast %swap3A : i32 to index
        %swap3A_274 = arith.index_cast %mul3A_83 : i32 to index
        %swap3A_275 = tpu.vector_load %arg9[%swap3A_273, %swap3A_274] {strides = array<i32>} : memref<1x384xf32, #tpu.memory_space<vmem>>, vector<1x16xf32>,
        %swap3A_276 = vector.shape_cast %swap3A_275 : vector<1x16xf32> to vector<16xf32>
        %swap3A_277 = vector.shape_cast %max3A_272 : vector<16xf32> to vector<1x16xf32>
        tpu.vector_store %arg9[%swap3A_273, %swap3A_274], %swap3A_277 {strides = array<i32>} : memref<1x384xf32, #tpu.memory_space<vmem>>, vector<1x16xf32>,
      }
      %scan3A_73 = arith.constant 24 : i32
      %add3A_74 = arith.addi %mul3A_2, %mul3A_23 : i32
      %add3A_75 = arith.constant 1 : i32
      %add3A_76 = arith.addi %add3A_74, %add3A_75 : i32
      %dma_start3A_77 = arith.constant 0 : i32
      %dma_start3A_78 = tpu.memref_slice %arg4[%add3A_76, %dma_start3A_77] : memref<8192x384xf32, #tpu.memory_space<hbm>> -> memref<1x384xf32, #tpu.memory_space<hbm>>
      %dma_start3A_79 = arith.constant 0 : i32
      %dma_start3A_80 = tpu.memref_slice %arg4[%add3A_76, %dma_start3A_79] : memref<8192x384xf32, #tpu.memory_space<hbm>> -> memref<1x384xf32, #tpu.memory_space<hbm>>
      tpu.enqueue_dma source(%arg9 : memref<1x384xf32, #tpu.memory_space<vmem>>) target(%dma_start3A_80 : memref<1x384xf32, #tpu.memory_space<hbm>>) target_semaphore(%arg13 : memref<!tpu.dma_semaphore, #tpu.memory_space<semaphore_mem>>)
    }
    %scan3A_13 = arith.constant 128 : i32
    %dma_wait3A = arith.constant 0 : i32
    %dma_wait3A_14 = tpu.memref_slice %arg4[%mul3A_2, %dma_wait3A] : memref<8192x384xf32, #tpu.memory_space<hbm>> -> memref<1x384xf32, #tpu.memory_space<hbm>>
    %dma_wait3A_15 = arith.constant 0 : i32
    %dma_wait3A_16 = tpu.memref_slice %arg4[%mul3A_2, %dma_wait3A_15] : memref<8192x384xf32, #tpu.memory_space<hbm>> -> memref<1x384xf32, #tpu.memory_space<hbm>>
    tpu.wait_dma2 semaphore(%arg12 : memref<!tpu.dma_semaphore, #tpu.memory_space<semaphore_mem>>) src(%arg8 : memref<1x384xf32, #tpu.memory_space<vmem>>) dst(%dma_wait3A_16 : memref<1x384xf32, #tpu.memory_space<hbm>>)
    %dma_wait3A_17 = arith.constant 0 : i32
    %dma_wait3A_18 = tpu.memref_slice %arg4[%mul3A_2, %dma_wait3A_17] : memref<8192x384xf32, #tpu.memory_space<hbm>> -> memref<1x384xf32, #tpu.memory_space<hbm>>
    %dma_wait3A_19 = arith.constant 0 : i32
    %dma_wait3A_20 = tpu.memref_slice %arg4[%mul3A_2, %dma_wait3A_19] : memref<8192x384xf32, #tpu.memory_space<hbm>> -> memref<1x384xf32, #tpu.memory_space<hbm>>
    tpu.wait_dma2 semaphore(%arg13 : memref<!tpu.dma_semaphore, #tpu.memory_space<semaphore_mem>>) src(%arg9 : memref<1x384xf32, #tpu.memory_space<vmem>>) dst(%dma_wait3A_20 : memref<1x384xf32, #tpu.memory_space<hbm>>)
    return
  }
}

module attributes {stable_mosaic.version = 14 : i64} {
  func.func @_ball_query_body(%arg0: i32, %arg1: i32, %arg2: memref<1x512x3xf32, #tpu.memory_space<vmem>>, %arg3: memref<1x3x4096xf32, #tpu.memory_space<vmem>>, %arg4: memref<1x512x32xi32, #tpu.memory_space<vmem>>) attributes {dimension_semantics = [#tpu.dimension_semantics<arbitrary>, #tpu.dimension_semantics<arbitrary>], iteration_bounds = array<i64: 2, 8>, scalar_prefetch = 0 : i64, scratch_operands = 0 : i64, tpu.core_type = #tpu.core_type<tc>, window_params = [{transform_indices = @transform_0, window_bounds = array<i64: 1, 512, 3>}, {transform_indices = @transform_1, window_bounds = array<i64: 1, 3, 4096>}, {transform_indices = @transform_2, window_bounds = array<i64: 1, 512, 32>}]} {
    %get3A = arith.constant 0 : index
    %get3A_0 = arith.constant 0 : index
    %get3A_1 = arith.constant 0 : index
    %get3A_2 = vector.load %arg2[%get3A, %get3A_0, %get3A_1] : memref<1x512x3xf32, #tpu.memory_space<vmem>>, vector<1x512x3xf32>
    %get3A_3 = vector.shape_cast %get3A_2 : vector<1x512x3xf32> to vector<512x3xf32>
    %slice3A = vector.extract_strided_slice %get3A_3 {offsets = [0, 0], sizes = [512, 1], strides = [1, 1]} : vector<512x3xf32> to vector<512x1xf32>
    %slice3A_4 = vector.extract_strided_slice %get3A_3 {offsets = [0, 1], sizes = [512, 1], strides = [1, 1]} : vector<512x3xf32> to vector<512x1xf32>
    %slice3A_5 = vector.extract_strided_slice %get3A_3 {offsets = [0, 2], sizes = [512, 1], strides = [1, 1]} : vector<512x3xf32> to vector<512x1xf32>
    %iota3A = tpu.iota {dimensions = array<i32: 0>} : vector<512x512xi32>
    %iota3A_6 = tpu.iota {dimensions = array<i32: 1>} : vector<512x512xi32>
    %lt3A = arith.cmpi slt, %iota3A, %iota3A_6 : vector<512x512xi32>
    %convert_element_type3A = arith.extui %lt3A : vector<512x512xi1> to vector<512x512xi32>
    %convert_element_type3A_7 = arith.sitofp %convert_element_type3A : vector<512x512xi32> to vector<512x512xf32>
    %iota3A_8 = tpu.iota {dimensions = array<i32: 1>} : vector<1x32xi32>
    %broadcast_in_dim3A = arith.constant 0.000000e+00 : f32
    %broadcast_in_dim3A_9 = vector.broadcast %broadcast_in_dim3A : f32 to vector<512x1xf32>
    %broadcast_in_dim3A_10 = arith.constant 0.000000e+00 : f32
    %broadcast_in_dim3A_11 = vector.broadcast %broadcast_in_dim3A_10 : f32 to vector<512x32xf32>
    %scan3A = arith.constant 0 : i32
    %scan3A_12 = arith.constant 8 : i32
    %scan3A_13 = arith.addi %scan3A, %scan3A_12 : i32
    %scan3A_14 = arith.constant 1 : i32
    %scan3A_15:2 = scf.for %scan3A_32 = %scan3A to %scan3A_13 step %scan3A_14 iter_args(%scan3A_33 = %broadcast_in_dim3A_9, %scan3A_34 = %broadcast_in_dim3A_11) -> (vector<512x1xf32>, vector<512x32xf32>)  : i32 {
      %mul3A_35 = arith.constant 512 : i32
      %mul3A_36 = arith.muli %scan3A_32, %mul3A_35 : i32
      %get3A_37 = arith.constant 0 : index
      %get3A_38 = arith.constant 0 : index
      %get3A_39 = arith.index_cast %mul3A_36 : i32 to index
      %get3A_40 = vector.load %arg3[%get3A_37, %get3A_38, %get3A_39] : memref<1x3x4096xf32, #tpu.memory_space<vmem>>, vector<1x1x512xf32>
      %get3A_41 = vector.shape_cast %get3A_40 : vector<1x1x512xf32> to vector<1x512xf32>
      %get3A_42 = arith.constant 0 : index
      %get3A_43 = arith.constant 1 : index
      %get3A_44 = arith.index_cast %mul3A_36 : i32 to index
      %get3A_45 = vector.load %arg3[%get3A_42, %get3A_43, %get3A_44] : memref<1x3x4096xf32, #tpu.memory_space<vmem>>, vector<1x1x512xf32>
      %get3A_46 = vector.shape_cast %get3A_45 : vector<1x1x512xf32> to vector<1x512xf32>
      %get3A_47 = arith.constant 0 : index
      %get3A_48 = arith.constant 2 : index
      %get3A_49 = arith.index_cast %mul3A_36 : i32 to index
      %get3A_50 = vector.load %arg3[%get3A_47, %get3A_48, %get3A_49] : memref<1x3x4096xf32, #tpu.memory_space<vmem>>, vector<1x1x512xf32>
      %get3A_51 = vector.shape_cast %get3A_50 : vector<1x1x512xf32> to vector<1x512xf32>
      %sub3A = vector.broadcast %slice3A : vector<512x1xf32> to vector<512x512xf32>
      %sub3A_52 = vector.broadcast %get3A_41 : vector<1x512xf32> to vector<512x512xf32>
      %sub3A_53 = arith.subf %sub3A, %sub3A_52 : vector<512x512xf32>
      %sub3A_54 = vector.broadcast %slice3A_4 : vector<512x1xf32> to vector<512x512xf32>
      %sub3A_55 = vector.broadcast %get3A_46 : vector<1x512xf32> to vector<512x512xf32>
      %sub3A_56 = arith.subf %sub3A_54, %sub3A_55 : vector<512x512xf32>
      %sub3A_57 = vector.broadcast %slice3A_5 : vector<512x1xf32> to vector<512x512xf32>
      %sub3A_58 = vector.broadcast %get3A_51 : vector<1x512xf32> to vector<512x512xf32>
      %sub3A_59 = arith.subf %sub3A_57, %sub3A_58 : vector<512x512xf32>
      %mul3A_60 = arith.mulf %sub3A_53, %sub3A_53 : vector<512x512xf32>
      %mul3A_61 = arith.mulf %sub3A_56, %sub3A_56 : vector<512x512xf32>
      %add3A_62 = arith.addf %mul3A_60, %mul3A_61 : vector<512x512xf32>
      %mul3A_63 = arith.mulf %sub3A_59, %sub3A_59 : vector<512x512xf32>
      %add3A_64 = arith.addf %add3A_62, %mul3A_63 : vector<512x512xf32>
      %lt3A_65 = arith.constant 2.500000e-01 : f32
      %lt3A_66 = vector.broadcast %lt3A_65 : f32 to vector<512x512xf32>
      %lt3A_67 = arith.cmpf olt, %add3A_64, %lt3A_66 : vector<512x512xf32>
      %convert_element_type3A_68 = arith.extui %lt3A_67 : vector<512x512xi1> to vector<512x512xi32>
      %convert_element_type3A_69 = arith.sitofp %convert_element_type3A_68 : vector<512x512xi32> to vector<512x512xf32>
      %dot_general3A = arith.constant dense<0.000000e+00> : vector<512x512xf32>
      %dot_general3A_70 = tpu.matmul %convert_element_type3A_69, %convert_element_type3A_7, %dot_general3A {dimension_numbers = #tpu.dot_dimension_numbers<[1], [0], [0], [1], [0, 0, 1, 1], [], []>, transpose_lhs_hint = false} : vector<512x512xf32>, vector<512x512xf32>, vector<512x512xf32> -> vector<512x512xf32>
      %add3A_71 = vector.broadcast %scan3A_33 : vector<512x1xf32> to vector<512x512xf32>
      %add3A_72 = arith.addf %add3A_71, %dot_general3A_70 : vector<512x512xf32>
      %lt3A_73 = arith.constant 3.200000e+01 : f32
      %lt3A_74 = vector.broadcast %lt3A_73 : f32 to vector<512x512xf32>
      %lt3A_75 = arith.cmpf olt, %add3A_72, %lt3A_74 : vector<512x512xf32>
      %convert_element_type3A_76 = arith.extui %lt3A_75 : vector<512x512xi1> to vector<512x512xi32>
      %convert_element_type3A_77 = arith.sitofp %convert_element_type3A_76 : vector<512x512xi32> to vector<512x512xf32>
      %mul3A_78 = arith.mulf %convert_element_type3A_69, %convert_element_type3A_77 : vector<512x512xf32>
      %iota3A_79 = tpu.iota {dimensions = array<i32: 1>} : vector<1x512xi32>
      %add3A_80 = vector.broadcast %mul3A_36 : i32 to vector<1x512xi32>
      %add3A_81 = arith.addi %add3A_80, %iota3A_79 : vector<1x512xi32>
      %convert_element_type3A_82 = arith.sitofp %add3A_81 : vector<1x512xi32> to vector<1x512xf32>
      %eq3A = arith.constant 0.000000e+00 : f32
      %eq3A_83 = vector.broadcast %eq3A : f32 to vector<512x512xf32>
      %eq3A_84 = arith.cmpf oeq, %add3A_72, %eq3A_83 : vector<512x512xf32>
      %jit3A = arith.constant 0.000000e+00 : f32
      %broadcast_in_dim3A_85 = vector.broadcast %jit3A : f32 to vector<512x512xf32>
      %select_n3A_86 = arith.select %eq3A_84, %mul3A_78, %broadcast_in_dim3A_85 : vector<512x512xi1>, vector<512x512xf32>
      %mul3A_87 = vector.broadcast %convert_element_type3A_82 : vector<1x512xf32> to vector<512x512xf32>
      %mul3A_88 = arith.mulf %select_n3A_86, %mul3A_87 : vector<512x512xf32>
      %reduce_sum3A = arith.constant dense<0.000000e+00> : vector<512xf32>
      %reduce_sum3A_89 = vector.multi_reduction <add>, %mul3A_88, %reduce_sum3A [1] : vector<512x512xf32> to vector<512xf32>
      %broadcast_in_dim3A_90 = vector.shape_cast %reduce_sum3A_89 : vector<512xf32> to vector<512x1xf32>
      %eq3A_91 = arith.constant 0 : i32
      %eq3A_92 = vector.broadcast %eq3A_91 : i32 to vector<1x32xi32>
      %eq3A_93 = arith.cmpi eq, %iota3A_8, %eq3A_92 : vector<1x32xi32>
      %convert_element_type3A_94 = arith.extui %eq3A_93 : vector<1x32xi1> to vector<1x32xi32>
      %convert_element_type3A_95 = arith.sitofp %convert_element_type3A_94 : vector<1x32xi32> to vector<1x32xf32>
      %mul3A_96 = vector.broadcast %broadcast_in_dim3A_90 : vector<512x1xf32> to vector<512x32xf32>
      %mul3A_97 = vector.broadcast %convert_element_type3A_95 : vector<1x32xf32> to vector<512x32xf32>
      %mul3A_98 = arith.mulf %mul3A_96, %mul3A_97 : vector<512x32xf32>
      %add3A_99 = arith.addf %scan3A_34, %mul3A_98 : vector<512x32xf32>
      %eq3A_100 = arith.constant 1.000000e+00 : f32
      %eq3A_101 = vector.broadcast %eq3A_100 : f32 to vector<512x512xf32>
      %eq3A_102 = arith.cmpf oeq, %add3A_72, %eq3A_101 : vector<512x512xf32>
      %jit3A_103 = arith.constant 0.000000e+00 : f32
      %broadcast_in_dim3A_104 = vector.broadcast %jit3A_103 : f32 to vector<512x512xf32>
      %select_n3A_105 = arith.select %eq3A_102, %mul3A_78, %broadcast_in_dim3A_104 : vector<512x512xi1>, vector<512x512xf32>
      %mul3A_106 = vector.broadcast %convert_element_type3A_82 : vector<1x512xf32> to vector<512x512xf32>
      %mul3A_107 = arith.mulf %select_n3A_105, %mul3A_106 : vector<512x512xf32>
      %reduce_sum3A_108 = arith.constant dense<0.000000e+00> : vector<512xf32>
      %reduce_sum3A_109 = vector.multi_reduction <add>, %mul3A_107, %reduce_sum3A_108 [1] : vector<512x512xf32> to vector<512xf32>
      %broadcast_in_dim3A_110 = vector.shape_cast %reduce_sum3A_109 : vector<512xf32> to vector<512x1xf32>
      %eq3A_111 = arith.constant 1 : i32
      %eq3A_112 = vector.broadcast %eq3A_111 : i32 to vector<1x32xi32>
      %eq3A_113 = arith.cmpi eq, %iota3A_8, %eq3A_112 : vector<1x32xi32>
      %convert_element_type3A_114 = arith.extui %eq3A_113 : vector<1x32xi1> to vector<1x32xi32>
      %convert_element_type3A_115 = arith.sitofp %convert_element_type3A_114 : vector<1x32xi32> to vector<1x32xf32>
      %mul3A_116 = vector.broadcast %broadcast_in_dim3A_110 : vector<512x1xf32> to vector<512x32xf32>
      %mul3A_117 = vector.broadcast %convert_element_type3A_115 : vector<1x32xf32> to vector<512x32xf32>
      %mul3A_118 = arith.mulf %mul3A_116, %mul3A_117 : vector<512x32xf32>
      %add3A_119 = arith.addf %add3A_99, %mul3A_118 : vector<512x32xf32>
      %eq3A_120 = arith.constant 2.000000e+00 : f32
      %eq3A_121 = vector.broadcast %eq3A_120 : f32 to vector<512x512xf32>
      %eq3A_122 = arith.cmpf oeq, %add3A_72, %eq3A_121 : vector<512x512xf32>
      %jit3A_123 = arith.constant 0.000000e+00 : f32
      %broadcast_in_dim3A_124 = vector.broadcast %jit3A_123 : f32 to vector<512x512xf32>
      %select_n3A_125 = arith.select %eq3A_122, %mul3A_78, %broadcast_in_dim3A_124 : vector<512x512xi1>, vector<512x512xf32>
      %mul3A_126 = vector.broadcast %convert_element_type3A_82 : vector<1x512xf32> to vector<512x512xf32>
      %mul3A_127 = arith.mulf %select_n3A_125, %mul3A_126 : vector<512x512xf32>
      %reduce_sum3A_128 = arith.constant dense<0.000000e+00> : vector<512xf32>
      %reduce_sum3A_129 = vector.multi_reduction <add>, %mul3A_127, %reduce_sum3A_128 [1] : vector<512x512xf32> to vector<512xf32>
      %broadcast_in_dim3A_130 = vector.shape_cast %reduce_sum3A_129 : vector<512xf32> to vector<512x1xf32>
      %eq3A_131 = arith.constant 2 : i32
      %eq3A_132 = vector.broadcast %eq3A_131 : i32 to vector<1x32xi32>
      %eq3A_133 = arith.cmpi eq, %iota3A_8, %eq3A_132 : vector<1x32xi32>
      %convert_element_type3A_134 = arith.extui %eq3A_133 : vector<1x32xi1> to vector<1x32xi32>
      %convert_element_type3A_135 = arith.sitofp %convert_element_type3A_134 : vector<1x32xi32> to vector<1x32xf32>
      %mul3A_136 = vector.broadcast %broadcast_in_dim3A_130 : vector<512x1xf32> to vector<512x32xf32>
      %mul3A_137 = vector.broadcast %convert_element_type3A_135 : vector<1x32xf32> to vector<512x32xf32>
      %mul3A_138 = arith.mulf %mul3A_136, %mul3A_137 : vector<512x32xf32>
      %add3A_139 = arith.addf %add3A_119, %mul3A_138 : vector<512x32xf32>
      %eq3A_140 = arith.constant 3.000000e+00 : f32
      %eq3A_141 = vector.broadcast %eq3A_140 : f32 to vector<512x512xf32>
      %eq3A_142 = arith.cmpf oeq, %add3A_72, %eq3A_141 : vector<512x512xf32>
      %jit3A_143 = arith.constant 0.000000e+00 : f32
      %broadcast_in_dim3A_144 = vector.broadcast %jit3A_143 : f32 to vector<512x512xf32>
      %select_n3A_145 = arith.select %eq3A_142, %mul3A_78, %broadcast_in_dim3A_144 : vector<512x512xi1>, vector<512x512xf32>
      %mul3A_146 = vector.broadcast %convert_element_type3A_82 : vector<1x512xf32> to vector<512x512xf32>
      %mul3A_147 = arith.mulf %select_n3A_145, %mul3A_146 : vector<512x512xf32>
      %reduce_sum3A_148 = arith.constant dense<0.000000e+00> : vector<512xf32>
      %reduce_sum3A_149 = vector.multi_reduction <add>, %mul3A_147, %reduce_sum3A_148 [1] : vector<512x512xf32> to vector<512xf32>
      %broadcast_in_dim3A_150 = vector.shape_cast %reduce_sum3A_149 : vector<512xf32> to vector<512x1xf32>
      %eq3A_151 = arith.constant 3 : i32
      %eq3A_152 = vector.broadcast %eq3A_151 : i32 to vector<1x32xi32>
      %eq3A_153 = arith.cmpi eq, %iota3A_8, %eq3A_152 : vector<1x32xi32>
      %convert_element_type3A_154 = arith.extui %eq3A_153 : vector<1x32xi1> to vector<1x32xi32>
      %convert_element_type3A_155 = arith.sitofp %convert_element_type3A_154 : vector<1x32xi32> to vector<1x32xf32>
      %mul3A_156 = vector.broadcast %broadcast_in_dim3A_150 : vector<512x1xf32> to vector<512x32xf32>
      %mul3A_157 = vector.broadcast %convert_element_type3A_155 : vector<1x32xf32> to vector<512x32xf32>
      %mul3A_158 = arith.mulf %mul3A_156, %mul3A_157 : vector<512x32xf32>
      %add3A_159 = arith.addf %add3A_139, %mul3A_158 : vector<512x32xf32>
      %eq3A_160 = arith.constant 4.000000e+00 : f32
      %eq3A_161 = vector.broadcast %eq3A_160 : f32 to vector<512x512xf32>
      %eq3A_162 = arith.cmpf oeq, %add3A_72, %eq3A_161 : vector<512x512xf32>
      %jit3A_163 = arith.constant 0.000000e+00 : f32
      %broadcast_in_dim3A_164 = vector.broadcast %jit3A_163 : f32 to vector<512x512xf32>
      %select_n3A_165 = arith.select %eq3A_162, %mul3A_78, %broadcast_in_dim3A_164 : vector<512x512xi1>, vector<512x512xf32>
      %mul3A_166 = vector.broadcast %convert_element_type3A_82 : vector<1x512xf32> to vector<512x512xf32>
      %mul3A_167 = arith.mulf %select_n3A_165, %mul3A_166 : vector<512x512xf32>
      %reduce_sum3A_168 = arith.constant dense<0.000000e+00> : vector<512xf32>
      %reduce_sum3A_169 = vector.multi_reduction <add>, %mul3A_167, %reduce_sum3A_168 [1] : vector<512x512xf32> to vector<512xf32>
      %broadcast_in_dim3A_170 = vector.shape_cast %reduce_sum3A_169 : vector<512xf32> to vector<512x1xf32>
      %eq3A_171 = arith.constant 4 : i32
      %eq3A_172 = vector.broadcast %eq3A_171 : i32 to vector<1x32xi32>
      %eq3A_173 = arith.cmpi eq, %iota3A_8, %eq3A_172 : vector<1x32xi32>
      %convert_element_type3A_174 = arith.extui %eq3A_173 : vector<1x32xi1> to vector<1x32xi32>
      %convert_element_type3A_175 = arith.sitofp %convert_element_type3A_174 : vector<1x32xi32> to vector<1x32xf32>
      %mul3A_176 = vector.broadcast %broadcast_in_dim3A_170 : vector<512x1xf32> to vector<512x32xf32>
      %mul3A_177 = vector.broadcast %convert_element_type3A_175 : vector<1x32xf32> to vector<512x32xf32>
      %mul3A_178 = arith.mulf %mul3A_176, %mul3A_177 : vector<512x32xf32>
      %add3A_179 = arith.addf %add3A_159, %mul3A_178 : vector<512x32xf32>
      %eq3A_180 = arith.constant 5.000000e+00 : f32
      %eq3A_181 = vector.broadcast %eq3A_180 : f32 to vector<512x512xf32>
      %eq3A_182 = arith.cmpf oeq, %add3A_72, %eq3A_181 : vector<512x512xf32>
      %jit3A_183 = arith.constant 0.000000e+00 : f32
      %broadcast_in_dim3A_184 = vector.broadcast %jit3A_183 : f32 to vector<512x512xf32>
      %select_n3A_185 = arith.select %eq3A_182, %mul3A_78, %broadcast_in_dim3A_184 : vector<512x512xi1>, vector<512x512xf32>
      %mul3A_186 = vector.broadcast %convert_element_type3A_82 : vector<1x512xf32> to vector<512x512xf32>
      %mul3A_187 = arith.mulf %select_n3A_185, %mul3A_186 : vector<512x512xf32>
      %reduce_sum3A_188 = arith.constant dense<0.000000e+00> : vector<512xf32>
      %reduce_sum3A_189 = vector.multi_reduction <add>, %mul3A_187, %reduce_sum3A_188 [1] : vector<512x512xf32> to vector<512xf32>
      %broadcast_in_dim3A_190 = vector.shape_cast %reduce_sum3A_189 : vector<512xf32> to vector<512x1xf32>
      %eq3A_191 = arith.constant 5 : i32
      %eq3A_192 = vector.broadcast %eq3A_191 : i32 to vector<1x32xi32>
      %eq3A_193 = arith.cmpi eq, %iota3A_8, %eq3A_192 : vector<1x32xi32>
      %convert_element_type3A_194 = arith.extui %eq3A_193 : vector<1x32xi1> to vector<1x32xi32>
      %convert_element_type3A_195 = arith.sitofp %convert_element_type3A_194 : vector<1x32xi32> to vector<1x32xf32>
      %mul3A_196 = vector.broadcast %broadcast_in_dim3A_190 : vector<512x1xf32> to vector<512x32xf32>
      %mul3A_197 = vector.broadcast %convert_element_type3A_195 : vector<1x32xf32> to vector<512x32xf32>
      %mul3A_198 = arith.mulf %mul3A_196, %mul3A_197 : vector<512x32xf32>
      %add3A_199 = arith.addf %add3A_179, %mul3A_198 : vector<512x32xf32>
      %eq3A_200 = arith.constant 6.000000e+00 : f32
      %eq3A_201 = vector.broadcast %eq3A_200 : f32 to vector<512x512xf32>
      %eq3A_202 = arith.cmpf oeq, %add3A_72, %eq3A_201 : vector<512x512xf32>
      %jit3A_203 = arith.constant 0.000000e+00 : f32
      %broadcast_in_dim3A_204 = vector.broadcast %jit3A_203 : f32 to vector<512x512xf32>
      %select_n3A_205 = arith.select %eq3A_202, %mul3A_78, %broadcast_in_dim3A_204 : vector<512x512xi1>, vector<512x512xf32>
      %mul3A_206 = vector.broadcast %convert_element_type3A_82 : vector<1x512xf32> to vector<512x512xf32>
      %mul3A_207 = arith.mulf %select_n3A_205, %mul3A_206 : vector<512x512xf32>
      %reduce_sum3A_208 = arith.constant dense<0.000000e+00> : vector<512xf32>
      %reduce_sum3A_209 = vector.multi_reduction <add>, %mul3A_207, %reduce_sum3A_208 [1] : vector<512x512xf32> to vector<512xf32>
      %broadcast_in_dim3A_210 = vector.shape_cast %reduce_sum3A_209 : vector<512xf32> to vector<512x1xf32>
      %eq3A_211 = arith.constant 6 : i32
      %eq3A_212 = vector.broadcast %eq3A_211 : i32 to vector<1x32xi32>
      %eq3A_213 = arith.cmpi eq, %iota3A_8, %eq3A_212 : vector<1x32xi32>
      %convert_element_type3A_214 = arith.extui %eq3A_213 : vector<1x32xi1> to vector<1x32xi32>
      %convert_element_type3A_215 = arith.sitofp %convert_element_type3A_214 : vector<1x32xi32> to vector<1x32xf32>
      %mul3A_216 = vector.broadcast %broadcast_in_dim3A_210 : vector<512x1xf32> to vector<512x32xf32>
      %mul3A_217 = vector.broadcast %convert_element_type3A_215 : vector<1x32xf32> to vector<512x32xf32>
      %mul3A_218 = arith.mulf %mul3A_216, %mul3A_217 : vector<512x32xf32>
      %add3A_219 = arith.addf %add3A_199, %mul3A_218 : vector<512x32xf32>
      %eq3A_220 = arith.constant 7.000000e+00 : f32
      %eq3A_221 = vector.broadcast %eq3A_220 : f32 to vector<512x512xf32>
      %eq3A_222 = arith.cmpf oeq, %add3A_72, %eq3A_221 : vector<512x512xf32>
      %jit3A_223 = arith.constant 0.000000e+00 : f32
      %broadcast_in_dim3A_224 = vector.broadcast %jit3A_223 : f32 to vector<512x512xf32>
      %select_n3A_225 = arith.select %eq3A_222, %mul3A_78, %broadcast_in_dim3A_224 : vector<512x512xi1>, vector<512x512xf32>
      %mul3A_226 = vector.broadcast %convert_element_type3A_82 : vector<1x512xf32> to vector<512x512xf32>
      %mul3A_227 = arith.mulf %select_n3A_225, %mul3A_226 : vector<512x512xf32>
      %reduce_sum3A_228 = arith.constant dense<0.000000e+00> : vector<512xf32>
      %reduce_sum3A_229 = vector.multi_reduction <add>, %mul3A_227, %reduce_sum3A_228 [1] : vector<512x512xf32> to vector<512xf32>
      %broadcast_in_dim3A_230 = vector.shape_cast %reduce_sum3A_229 : vector<512xf32> to vector<512x1xf32>
      %eq3A_231 = arith.constant 7 : i32
      %eq3A_232 = vector.broadcast %eq3A_231 : i32 to vector<1x32xi32>
      %eq3A_233 = arith.cmpi eq, %iota3A_8, %eq3A_232 : vector<1x32xi32>
      %convert_element_type3A_234 = arith.extui %eq3A_233 : vector<1x32xi1> to vector<1x32xi32>
      %convert_element_type3A_235 = arith.sitofp %convert_element_type3A_234 : vector<1x32xi32> to vector<1x32xf32>
      %mul3A_236 = vector.broadcast %broadcast_in_dim3A_230 : vector<512x1xf32> to vector<512x32xf32>
      %mul3A_237 = vector.broadcast %convert_element_type3A_235 : vector<1x32xf32> to vector<512x32xf32>
      %mul3A_238 = arith.mulf %mul3A_236, %mul3A_237 : vector<512x32xf32>
      %add3A_239 = arith.addf %add3A_219, %mul3A_238 : vector<512x32xf32>
      %eq3A_240 = arith.constant 8.000000e+00 : f32
      %eq3A_241 = vector.broadcast %eq3A_240 : f32 to vector<512x512xf32>
      %eq3A_242 = arith.cmpf oeq, %add3A_72, %eq3A_241 : vector<512x512xf32>
      %jit3A_243 = arith.constant 0.000000e+00 : f32
      %broadcast_in_dim3A_244 = vector.broadcast %jit3A_243 : f32 to vector<512x512xf32>
      %select_n3A_245 = arith.select %eq3A_242, %mul3A_78, %broadcast_in_dim3A_244 : vector<512x512xi1>, vector<512x512xf32>
      %mul3A_246 = vector.broadcast %convert_element_type3A_82 : vector<1x512xf32> to vector<512x512xf32>
      %mul3A_247 = arith.mulf %select_n3A_245, %mul3A_246 : vector<512x512xf32>
      %reduce_sum3A_248 = arith.constant dense<0.000000e+00> : vector<512xf32>
      %reduce_sum3A_249 = vector.multi_reduction <add>, %mul3A_247, %reduce_sum3A_248 [1] : vector<512x512xf32> to vector<512xf32>
      %broadcast_in_dim3A_250 = vector.shape_cast %reduce_sum3A_249 : vector<512xf32> to vector<512x1xf32>
      %eq3A_251 = arith.constant 8 : i32
      %eq3A_252 = vector.broadcast %eq3A_251 : i32 to vector<1x32xi32>
      %eq3A_253 = arith.cmpi eq, %iota3A_8, %eq3A_252 : vector<1x32xi32>
      %convert_element_type3A_254 = arith.extui %eq3A_253 : vector<1x32xi1> to vector<1x32xi32>
      %convert_element_type3A_255 = arith.sitofp %convert_element_type3A_254 : vector<1x32xi32> to vector<1x32xf32>
      %mul3A_256 = vector.broadcast %broadcast_in_dim3A_250 : vector<512x1xf32> to vector<512x32xf32>
      %mul3A_257 = vector.broadcast %convert_element_type3A_255 : vector<1x32xf32> to vector<512x32xf32>
      %mul3A_258 = arith.mulf %mul3A_256, %mul3A_257 : vector<512x32xf32>
      %add3A_259 = arith.addf %add3A_239, %mul3A_258 : vector<512x32xf32>
      %eq3A_260 = arith.constant 9.000000e+00 : f32
      %eq3A_261 = vector.broadcast %eq3A_260 : f32 to vector<512x512xf32>
      %eq3A_262 = arith.cmpf oeq, %add3A_72, %eq3A_261 : vector<512x512xf32>
      %jit3A_263 = arith.constant 0.000000e+00 : f32
      %broadcast_in_dim3A_264 = vector.broadcast %jit3A_263 : f32 to vector<512x512xf32>
      %select_n3A_265 = arith.select %eq3A_262, %mul3A_78, %broadcast_in_dim3A_264 : vector<512x512xi1>, vector<512x512xf32>
      %mul3A_266 = vector.broadcast %convert_element_type3A_82 : vector<1x512xf32> to vector<512x512xf32>
      %mul3A_267 = arith.mulf %select_n3A_265, %mul3A_266 : vector<512x512xf32>
      %reduce_sum3A_268 = arith.constant dense<0.000000e+00> : vector<512xf32>
      %reduce_sum3A_269 = vector.multi_reduction <add>, %mul3A_267, %reduce_sum3A_268 [1] : vector<512x512xf32> to vector<512xf32>
      %broadcast_in_dim3A_270 = vector.shape_cast %reduce_sum3A_269 : vector<512xf32> to vector<512x1xf32>
      %eq3A_271 = arith.constant 9 : i32
      %eq3A_272 = vector.broadcast %eq3A_271 : i32 to vector<1x32xi32>
      %eq3A_273 = arith.cmpi eq, %iota3A_8, %eq3A_272 : vector<1x32xi32>
      %convert_element_type3A_274 = arith.extui %eq3A_273 : vector<1x32xi1> to vector<1x32xi32>
      %convert_element_type3A_275 = arith.sitofp %convert_element_type3A_274 : vector<1x32xi32> to vector<1x32xf32>
      %mul3A_276 = vector.broadcast %broadcast_in_dim3A_270 : vector<512x1xf32> to vector<512x32xf32>
      %mul3A_277 = vector.broadcast %convert_element_type3A_275 : vector<1x32xf32> to vector<512x32xf32>
      %mul3A_278 = arith.mulf %mul3A_276, %mul3A_277 : vector<512x32xf32>
      %add3A_279 = arith.addf %add3A_259, %mul3A_278 : vector<512x32xf32>
      %eq3A_280 = arith.constant 1.000000e+01 : f32
      %eq3A_281 = vector.broadcast %eq3A_280 : f32 to vector<512x512xf32>
      %eq3A_282 = arith.cmpf oeq, %add3A_72, %eq3A_281 : vector<512x512xf32>
      %jit3A_283 = arith.constant 0.000000e+00 : f32
      %broadcast_in_dim3A_284 = vector.broadcast %jit3A_283 : f32 to vector<512x512xf32>
      %select_n3A_285 = arith.select %eq3A_282, %mul3A_78, %broadcast_in_dim3A_284 : vector<512x512xi1>, vector<512x512xf32>
      %mul3A_286 = vector.broadcast %convert_element_type3A_82 : vector<1x512xf32> to vector<512x512xf32>
      %mul3A_287 = arith.mulf %select_n3A_285, %mul3A_286 : vector<512x512xf32>
      %reduce_sum3A_288 = arith.constant dense<0.000000e+00> : vector<512xf32>
      %reduce_sum3A_289 = vector.multi_reduction <add>, %mul3A_287, %reduce_sum3A_288 [1] : vector<512x512xf32> to vector<512xf32>
      %broadcast_in_dim3A_290 = vector.shape_cast %reduce_sum3A_289 : vector<512xf32> to vector<512x1xf32>
      %eq3A_291 = arith.constant 10 : i32
      %eq3A_292 = vector.broadcast %eq3A_291 : i32 to vector<1x32xi32>
      %eq3A_293 = arith.cmpi eq, %iota3A_8, %eq3A_292 : vector<1x32xi32>
      %convert_element_type3A_294 = arith.extui %eq3A_293 : vector<1x32xi1> to vector<1x32xi32>
      %convert_element_type3A_295 = arith.sitofp %convert_element_type3A_294 : vector<1x32xi32> to vector<1x32xf32>
      %mul3A_296 = vector.broadcast %broadcast_in_dim3A_290 : vector<512x1xf32> to vector<512x32xf32>
      %mul3A_297 = vector.broadcast %convert_element_type3A_295 : vector<1x32xf32> to vector<512x32xf32>
      %mul3A_298 = arith.mulf %mul3A_296, %mul3A_297 : vector<512x32xf32>
      %add3A_299 = arith.addf %add3A_279, %mul3A_298 : vector<512x32xf32>
      %eq3A_300 = arith.constant 1.100000e+01 : f32
      %eq3A_301 = vector.broadcast %eq3A_300 : f32 to vector<512x512xf32>
      %eq3A_302 = arith.cmpf oeq, %add3A_72, %eq3A_301 : vector<512x512xf32>
      %jit3A_303 = arith.constant 0.000000e+00 : f32
      %broadcast_in_dim3A_304 = vector.broadcast %jit3A_303 : f32 to vector<512x512xf32>
      %select_n3A_305 = arith.select %eq3A_302, %mul3A_78, %broadcast_in_dim3A_304 : vector<512x512xi1>, vector<512x512xf32>
      %mul3A_306 = vector.broadcast %convert_element_type3A_82 : vector<1x512xf32> to vector<512x512xf32>
      %mul3A_307 = arith.mulf %select_n3A_305, %mul3A_306 : vector<512x512xf32>
      %reduce_sum3A_308 = arith.constant dense<0.000000e+00> : vector<512xf32>
      %reduce_sum3A_309 = vector.multi_reduction <add>, %mul3A_307, %reduce_sum3A_308 [1] : vector<512x512xf32> to vector<512xf32>
      %broadcast_in_dim3A_310 = vector.shape_cast %reduce_sum3A_309 : vector<512xf32> to vector<512x1xf32>
      %eq3A_311 = arith.constant 11 : i32
      %eq3A_312 = vector.broadcast %eq3A_311 : i32 to vector<1x32xi32>
      %eq3A_313 = arith.cmpi eq, %iota3A_8, %eq3A_312 : vector<1x32xi32>
      %convert_element_type3A_314 = arith.extui %eq3A_313 : vector<1x32xi1> to vector<1x32xi32>
      %convert_element_type3A_315 = arith.sitofp %convert_element_type3A_314 : vector<1x32xi32> to vector<1x32xf32>
      %mul3A_316 = vector.broadcast %broadcast_in_dim3A_310 : vector<512x1xf32> to vector<512x32xf32>
      %mul3A_317 = vector.broadcast %convert_element_type3A_315 : vector<1x32xf32> to vector<512x32xf32>
      %mul3A_318 = arith.mulf %mul3A_316, %mul3A_317 : vector<512x32xf32>
      %add3A_319 = arith.addf %add3A_299, %mul3A_318 : vector<512x32xf32>
      %eq3A_320 = arith.constant 1.200000e+01 : f32
      %eq3A_321 = vector.broadcast %eq3A_320 : f32 to vector<512x512xf32>
      %eq3A_322 = arith.cmpf oeq, %add3A_72, %eq3A_321 : vector<512x512xf32>
      %jit3A_323 = arith.constant 0.000000e+00 : f32
      %broadcast_in_dim3A_324 = vector.broadcast %jit3A_323 : f32 to vector<512x512xf32>
      %select_n3A_325 = arith.select %eq3A_322, %mul3A_78, %broadcast_in_dim3A_324 : vector<512x512xi1>, vector<512x512xf32>
      %mul3A_326 = vector.broadcast %convert_element_type3A_82 : vector<1x512xf32> to vector<512x512xf32>
      %mul3A_327 = arith.mulf %select_n3A_325, %mul3A_326 : vector<512x512xf32>
      %reduce_sum3A_328 = arith.constant dense<0.000000e+00> : vector<512xf32>
      %reduce_sum3A_329 = vector.multi_reduction <add>, %mul3A_327, %reduce_sum3A_328 [1] : vector<512x512xf32> to vector<512xf32>
      %broadcast_in_dim3A_330 = vector.shape_cast %reduce_sum3A_329 : vector<512xf32> to vector<512x1xf32>
      %eq3A_331 = arith.constant 12 : i32
      %eq3A_332 = vector.broadcast %eq3A_331 : i32 to vector<1x32xi32>
      %eq3A_333 = arith.cmpi eq, %iota3A_8, %eq3A_332 : vector<1x32xi32>
      %convert_element_type3A_334 = arith.extui %eq3A_333 : vector<1x32xi1> to vector<1x32xi32>
      %convert_element_type3A_335 = arith.sitofp %convert_element_type3A_334 : vector<1x32xi32> to vector<1x32xf32>
      %mul3A_336 = vector.broadcast %broadcast_in_dim3A_330 : vector<512x1xf32> to vector<512x32xf32>
      %mul3A_337 = vector.broadcast %convert_element_type3A_335 : vector<1x32xf32> to vector<512x32xf32>
      %mul3A_338 = arith.mulf %mul3A_336, %mul3A_337 : vector<512x32xf32>
      %add3A_339 = arith.addf %add3A_319, %mul3A_338 : vector<512x32xf32>
      %eq3A_340 = arith.constant 1.300000e+01 : f32
      %eq3A_341 = vector.broadcast %eq3A_340 : f32 to vector<512x512xf32>
      %eq3A_342 = arith.cmpf oeq, %add3A_72, %eq3A_341 : vector<512x512xf32>
      %jit3A_343 = arith.constant 0.000000e+00 : f32
      %broadcast_in_dim3A_344 = vector.broadcast %jit3A_343 : f32 to vector<512x512xf32>
      %select_n3A_345 = arith.select %eq3A_342, %mul3A_78, %broadcast_in_dim3A_344 : vector<512x512xi1>, vector<512x512xf32>
      %mul3A_346 = vector.broadcast %convert_element_type3A_82 : vector<1x512xf32> to vector<512x512xf32>
      %mul3A_347 = arith.mulf %select_n3A_345, %mul3A_346 : vector<512x512xf32>
      %reduce_sum3A_348 = arith.constant dense<0.000000e+00> : vector<512xf32>
      %reduce_sum3A_349 = vector.multi_reduction <add>, %mul3A_347, %reduce_sum3A_348 [1] : vector<512x512xf32> to vector<512xf32>
      %broadcast_in_dim3A_350 = vector.shape_cast %reduce_sum3A_349 : vector<512xf32> to vector<512x1xf32>
      %eq3A_351 = arith.constant 13 : i32
      %eq3A_352 = vector.broadcast %eq3A_351 : i32 to vector<1x32xi32>
      %eq3A_353 = arith.cmpi eq, %iota3A_8, %eq3A_352 : vector<1x32xi32>
      %convert_element_type3A_354 = arith.extui %eq3A_353 : vector<1x32xi1> to vector<1x32xi32>
      %convert_element_type3A_355 = arith.sitofp %convert_element_type3A_354 : vector<1x32xi32> to vector<1x32xf32>
      %mul3A_356 = vector.broadcast %broadcast_in_dim3A_350 : vector<512x1xf32> to vector<512x32xf32>
      %mul3A_357 = vector.broadcast %convert_element_type3A_355 : vector<1x32xf32> to vector<512x32xf32>
      %mul3A_358 = arith.mulf %mul3A_356, %mul3A_357 : vector<512x32xf32>
      %add3A_359 = arith.addf %add3A_339, %mul3A_358 : vector<512x32xf32>
      %eq3A_360 = arith.constant 1.400000e+01 : f32
      %eq3A_361 = vector.broadcast %eq3A_360 : f32 to vector<512x512xf32>
      %eq3A_362 = arith.cmpf oeq, %add3A_72, %eq3A_361 : vector<512x512xf32>
      %jit3A_363 = arith.constant 0.000000e+00 : f32
      %broadcast_in_dim3A_364 = vector.broadcast %jit3A_363 : f32 to vector<512x512xf32>
      %select_n3A_365 = arith.select %eq3A_362, %mul3A_78, %broadcast_in_dim3A_364 : vector<512x512xi1>, vector<512x512xf32>
      %mul3A_366 = vector.broadcast %convert_element_type3A_82 : vector<1x512xf32> to vector<512x512xf32>
      %mul3A_367 = arith.mulf %select_n3A_365, %mul3A_366 : vector<512x512xf32>
      %reduce_sum3A_368 = arith.constant dense<0.000000e+00> : vector<512xf32>
      %reduce_sum3A_369 = vector.multi_reduction <add>, %mul3A_367, %reduce_sum3A_368 [1] : vector<512x512xf32> to vector<512xf32>
      %broadcast_in_dim3A_370 = vector.shape_cast %reduce_sum3A_369 : vector<512xf32> to vector<512x1xf32>
      %eq3A_371 = arith.constant 14 : i32
      %eq3A_372 = vector.broadcast %eq3A_371 : i32 to vector<1x32xi32>
      %eq3A_373 = arith.cmpi eq, %iota3A_8, %eq3A_372 : vector<1x32xi32>
      %convert_element_type3A_374 = arith.extui %eq3A_373 : vector<1x32xi1> to vector<1x32xi32>
      %convert_element_type3A_375 = arith.sitofp %convert_element_type3A_374 : vector<1x32xi32> to vector<1x32xf32>
      %mul3A_376 = vector.broadcast %broadcast_in_dim3A_370 : vector<512x1xf32> to vector<512x32xf32>
      %mul3A_377 = vector.broadcast %convert_element_type3A_375 : vector<1x32xf32> to vector<512x32xf32>
      %mul3A_378 = arith.mulf %mul3A_376, %mul3A_377 : vector<512x32xf32>
      %add3A_379 = arith.addf %add3A_359, %mul3A_378 : vector<512x32xf32>
      %eq3A_380 = arith.constant 1.500000e+01 : f32
      %eq3A_381 = vector.broadcast %eq3A_380 : f32 to vector<512x512xf32>
      %eq3A_382 = arith.cmpf oeq, %add3A_72, %eq3A_381 : vector<512x512xf32>
      %jit3A_383 = arith.constant 0.000000e+00 : f32
      %broadcast_in_dim3A_384 = vector.broadcast %jit3A_383 : f32 to vector<512x512xf32>
      %select_n3A_385 = arith.select %eq3A_382, %mul3A_78, %broadcast_in_dim3A_384 : vector<512x512xi1>, vector<512x512xf32>
      %mul3A_386 = vector.broadcast %convert_element_type3A_82 : vector<1x512xf32> to vector<512x512xf32>
      %mul3A_387 = arith.mulf %select_n3A_385, %mul3A_386 : vector<512x512xf32>
      %reduce_sum3A_388 = arith.constant dense<0.000000e+00> : vector<512xf32>
      %reduce_sum3A_389 = vector.multi_reduction <add>, %mul3A_387, %reduce_sum3A_388 [1] : vector<512x512xf32> to vector<512xf32>
      %broadcast_in_dim3A_390 = vector.shape_cast %reduce_sum3A_389 : vector<512xf32> to vector<512x1xf32>
      %eq3A_391 = arith.constant 15 : i32
      %eq3A_392 = vector.broadcast %eq3A_391 : i32 to vector<1x32xi32>
      %eq3A_393 = arith.cmpi eq, %iota3A_8, %eq3A_392 : vector<1x32xi32>
      %convert_element_type3A_394 = arith.extui %eq3A_393 : vector<1x32xi1> to vector<1x32xi32>
      %convert_element_type3A_395 = arith.sitofp %convert_element_type3A_394 : vector<1x32xi32> to vector<1x32xf32>
      %mul3A_396 = vector.broadcast %broadcast_in_dim3A_390 : vector<512x1xf32> to vector<512x32xf32>
      %mul3A_397 = vector.broadcast %convert_element_type3A_395 : vector<1x32xf32> to vector<512x32xf32>
      %mul3A_398 = arith.mulf %mul3A_396, %mul3A_397 : vector<512x32xf32>
      %add3A_399 = arith.addf %add3A_379, %mul3A_398 : vector<512x32xf32>
      %eq3A_400 = arith.constant 1.600000e+01 : f32
      %eq3A_401 = vector.broadcast %eq3A_400 : f32 to vector<512x512xf32>
      %eq3A_402 = arith.cmpf oeq, %add3A_72, %eq3A_401 : vector<512x512xf32>
      %jit3A_403 = arith.constant 0.000000e+00 : f32
      %broadcast_in_dim3A_404 = vector.broadcast %jit3A_403 : f32 to vector<512x512xf32>
      %select_n3A_405 = arith.select %eq3A_402, %mul3A_78, %broadcast_in_dim3A_404 : vector<512x512xi1>, vector<512x512xf32>
      %mul3A_406 = vector.broadcast %convert_element_type3A_82 : vector<1x512xf32> to vector<512x512xf32>
      %mul3A_407 = arith.mulf %select_n3A_405, %mul3A_406 : vector<512x512xf32>
      %reduce_sum3A_408 = arith.constant dense<0.000000e+00> : vector<512xf32>
      %reduce_sum3A_409 = vector.multi_reduction <add>, %mul3A_407, %reduce_sum3A_408 [1] : vector<512x512xf32> to vector<512xf32>
      %broadcast_in_dim3A_410 = vector.shape_cast %reduce_sum3A_409 : vector<512xf32> to vector<512x1xf32>
      %eq3A_411 = arith.constant 16 : i32
      %eq3A_412 = vector.broadcast %eq3A_411 : i32 to vector<1x32xi32>
      %eq3A_413 = arith.cmpi eq, %iota3A_8, %eq3A_412 : vector<1x32xi32>
      %convert_element_type3A_414 = arith.extui %eq3A_413 : vector<1x32xi1> to vector<1x32xi32>
      %convert_element_type3A_415 = arith.sitofp %convert_element_type3A_414 : vector<1x32xi32> to vector<1x32xf32>
      %mul3A_416 = vector.broadcast %broadcast_in_dim3A_410 : vector<512x1xf32> to vector<512x32xf32>
      %mul3A_417 = vector.broadcast %convert_element_type3A_415 : vector<1x32xf32> to vector<512x32xf32>
      %mul3A_418 = arith.mulf %mul3A_416, %mul3A_417 : vector<512x32xf32>
      %add3A_419 = arith.addf %add3A_399, %mul3A_418 : vector<512x32xf32>
      %eq3A_420 = arith.constant 1.700000e+01 : f32
      %eq3A_421 = vector.broadcast %eq3A_420 : f32 to vector<512x512xf32>
      %eq3A_422 = arith.cmpf oeq, %add3A_72, %eq3A_421 : vector<512x512xf32>
      %jit3A_423 = arith.constant 0.000000e+00 : f32
      %broadcast_in_dim3A_424 = vector.broadcast %jit3A_423 : f32 to vector<512x512xf32>
      %select_n3A_425 = arith.select %eq3A_422, %mul3A_78, %broadcast_in_dim3A_424 : vector<512x512xi1>, vector<512x512xf32>
      %mul3A_426 = vector.broadcast %convert_element_type3A_82 : vector<1x512xf32> to vector<512x512xf32>
      %mul3A_427 = arith.mulf %select_n3A_425, %mul3A_426 : vector<512x512xf32>
      %reduce_sum3A_428 = arith.constant dense<0.000000e+00> : vector<512xf32>
      %reduce_sum3A_429 = vector.multi_reduction <add>, %mul3A_427, %reduce_sum3A_428 [1] : vector<512x512xf32> to vector<512xf32>
      %broadcast_in_dim3A_430 = vector.shape_cast %reduce_sum3A_429 : vector<512xf32> to vector<512x1xf32>
      %eq3A_431 = arith.constant 17 : i32
      %eq3A_432 = vector.broadcast %eq3A_431 : i32 to vector<1x32xi32>
      %eq3A_433 = arith.cmpi eq, %iota3A_8, %eq3A_432 : vector<1x32xi32>
      %convert_element_type3A_434 = arith.extui %eq3A_433 : vector<1x32xi1> to vector<1x32xi32>
      %convert_element_type3A_435 = arith.sitofp %convert_element_type3A_434 : vector<1x32xi32> to vector<1x32xf32>
      %mul3A_436 = vector.broadcast %broadcast_in_dim3A_430 : vector<512x1xf32> to vector<512x32xf32>
      %mul3A_437 = vector.broadcast %convert_element_type3A_435 : vector<1x32xf32> to vector<512x32xf32>
      %mul3A_438 = arith.mulf %mul3A_436, %mul3A_437 : vector<512x32xf32>
      %add3A_439 = arith.addf %add3A_419, %mul3A_438 : vector<512x32xf32>
      %eq3A_440 = arith.constant 1.800000e+01 : f32
      %eq3A_441 = vector.broadcast %eq3A_440 : f32 to vector<512x512xf32>
      %eq3A_442 = arith.cmpf oeq, %add3A_72, %eq3A_441 : vector<512x512xf32>
      %jit3A_443 = arith.constant 0.000000e+00 : f32
      %broadcast_in_dim3A_444 = vector.broadcast %jit3A_443 : f32 to vector<512x512xf32>
      %select_n3A_445 = arith.select %eq3A_442, %mul3A_78, %broadcast_in_dim3A_444 : vector<512x512xi1>, vector<512x512xf32>
      %mul3A_446 = vector.broadcast %convert_element_type3A_82 : vector<1x512xf32> to vector<512x512xf32>
      %mul3A_447 = arith.mulf %select_n3A_445, %mul3A_446 : vector<512x512xf32>
      %reduce_sum3A_448 = arith.constant dense<0.000000e+00> : vector<512xf32>
      %reduce_sum3A_449 = vector.multi_reduction <add>, %mul3A_447, %reduce_sum3A_448 [1] : vector<512x512xf32> to vector<512xf32>
      %broadcast_in_dim3A_450 = vector.shape_cast %reduce_sum3A_449 : vector<512xf32> to vector<512x1xf32>
      %eq3A_451 = arith.constant 18 : i32
      %eq3A_452 = vector.broadcast %eq3A_451 : i32 to vector<1x32xi32>
      %eq3A_453 = arith.cmpi eq, %iota3A_8, %eq3A_452 : vector<1x32xi32>
      %convert_element_type3A_454 = arith.extui %eq3A_453 : vector<1x32xi1> to vector<1x32xi32>
      %convert_element_type3A_455 = arith.sitofp %convert_element_type3A_454 : vector<1x32xi32> to vector<1x32xf32>
      %mul3A_456 = vector.broadcast %broadcast_in_dim3A_450 : vector<512x1xf32> to vector<512x32xf32>
      %mul3A_457 = vector.broadcast %convert_element_type3A_455 : vector<1x32xf32> to vector<512x32xf32>
      %mul3A_458 = arith.mulf %mul3A_456, %mul3A_457 : vector<512x32xf32>
      %add3A_459 = arith.addf %add3A_439, %mul3A_458 : vector<512x32xf32>
      %eq3A_460 = arith.constant 1.900000e+01 : f32
      %eq3A_461 = vector.broadcast %eq3A_460 : f32 to vector<512x512xf32>
      %eq3A_462 = arith.cmpf oeq, %add3A_72, %eq3A_461 : vector<512x512xf32>
      %jit3A_463 = arith.constant 0.000000e+00 : f32
      %broadcast_in_dim3A_464 = vector.broadcast %jit3A_463 : f32 to vector<512x512xf32>
      %select_n3A_465 = arith.select %eq3A_462, %mul3A_78, %broadcast_in_dim3A_464 : vector<512x512xi1>, vector<512x512xf32>
      %mul3A_466 = vector.broadcast %convert_element_type3A_82 : vector<1x512xf32> to vector<512x512xf32>
      %mul3A_467 = arith.mulf %select_n3A_465, %mul3A_466 : vector<512x512xf32>
      %reduce_sum3A_468 = arith.constant dense<0.000000e+00> : vector<512xf32>
      %reduce_sum3A_469 = vector.multi_reduction <add>, %mul3A_467, %reduce_sum3A_468 [1] : vector<512x512xf32> to vector<512xf32>
      %broadcast_in_dim3A_470 = vector.shape_cast %reduce_sum3A_469 : vector<512xf32> to vector<512x1xf32>
      %eq3A_471 = arith.constant 19 : i32
      %eq3A_472 = vector.broadcast %eq3A_471 : i32 to vector<1x32xi32>
      %eq3A_473 = arith.cmpi eq, %iota3A_8, %eq3A_472 : vector<1x32xi32>
      %convert_element_type3A_474 = arith.extui %eq3A_473 : vector<1x32xi1> to vector<1x32xi32>
      %convert_element_type3A_475 = arith.sitofp %convert_element_type3A_474 : vector<1x32xi32> to vector<1x32xf32>
      %mul3A_476 = vector.broadcast %broadcast_in_dim3A_470 : vector<512x1xf32> to vector<512x32xf32>
      %mul3A_477 = vector.broadcast %convert_element_type3A_475 : vector<1x32xf32> to vector<512x32xf32>
      %mul3A_478 = arith.mulf %mul3A_476, %mul3A_477 : vector<512x32xf32>
      %add3A_479 = arith.addf %add3A_459, %mul3A_478 : vector<512x32xf32>
      %eq3A_480 = arith.constant 2.000000e+01 : f32
      %eq3A_481 = vector.broadcast %eq3A_480 : f32 to vector<512x512xf32>
      %eq3A_482 = arith.cmpf oeq, %add3A_72, %eq3A_481 : vector<512x512xf32>
      %jit3A_483 = arith.constant 0.000000e+00 : f32
      %broadcast_in_dim3A_484 = vector.broadcast %jit3A_483 : f32 to vector<512x512xf32>
      %select_n3A_485 = arith.select %eq3A_482, %mul3A_78, %broadcast_in_dim3A_484 : vector<512x512xi1>, vector<512x512xf32>
      %mul3A_486 = vector.broadcast %convert_element_type3A_82 : vector<1x512xf32> to vector<512x512xf32>
      %mul3A_487 = arith.mulf %select_n3A_485, %mul3A_486 : vector<512x512xf32>
      %reduce_sum3A_488 = arith.constant dense<0.000000e+00> : vector<512xf32>
      %reduce_sum3A_489 = vector.multi_reduction <add>, %mul3A_487, %reduce_sum3A_488 [1] : vector<512x512xf32> to vector<512xf32>
      %broadcast_in_dim3A_490 = vector.shape_cast %reduce_sum3A_489 : vector<512xf32> to vector<512x1xf32>
      %eq3A_491 = arith.constant 20 : i32
      %eq3A_492 = vector.broadcast %eq3A_491 : i32 to vector<1x32xi32>
      %eq3A_493 = arith.cmpi eq, %iota3A_8, %eq3A_492 : vector<1x32xi32>
      %convert_element_type3A_494 = arith.extui %eq3A_493 : vector<1x32xi1> to vector<1x32xi32>
      %convert_element_type3A_495 = arith.sitofp %convert_element_type3A_494 : vector<1x32xi32> to vector<1x32xf32>
      %mul3A_496 = vector.broadcast %broadcast_in_dim3A_490 : vector<512x1xf32> to vector<512x32xf32>
      %mul3A_497 = vector.broadcast %convert_element_type3A_495 : vector<1x32xf32> to vector<512x32xf32>
      %mul3A_498 = arith.mulf %mul3A_496, %mul3A_497 : vector<512x32xf32>
      %add3A_499 = arith.addf %add3A_479, %mul3A_498 : vector<512x32xf32>
      %eq3A_500 = arith.constant 2.100000e+01 : f32
      %eq3A_501 = vector.broadcast %eq3A_500 : f32 to vector<512x512xf32>
      %eq3A_502 = arith.cmpf oeq, %add3A_72, %eq3A_501 : vector<512x512xf32>
      %jit3A_503 = arith.constant 0.000000e+00 : f32
      %broadcast_in_dim3A_504 = vector.broadcast %jit3A_503 : f32 to vector<512x512xf32>
      %select_n3A_505 = arith.select %eq3A_502, %mul3A_78, %broadcast_in_dim3A_504 : vector<512x512xi1>, vector<512x512xf32>
      %mul3A_506 = vector.broadcast %convert_element_type3A_82 : vector<1x512xf32> to vector<512x512xf32>
      %mul3A_507 = arith.mulf %select_n3A_505, %mul3A_506 : vector<512x512xf32>
      %reduce_sum3A_508 = arith.constant dense<0.000000e+00> : vector<512xf32>
      %reduce_sum3A_509 = vector.multi_reduction <add>, %mul3A_507, %reduce_sum3A_508 [1] : vector<512x512xf32> to vector<512xf32>
      %broadcast_in_dim3A_510 = vector.shape_cast %reduce_sum3A_509 : vector<512xf32> to vector<512x1xf32>
      %eq3A_511 = arith.constant 21 : i32
      %eq3A_512 = vector.broadcast %eq3A_511 : i32 to vector<1x32xi32>
      %eq3A_513 = arith.cmpi eq, %iota3A_8, %eq3A_512 : vector<1x32xi32>
      %convert_element_type3A_514 = arith.extui %eq3A_513 : vector<1x32xi1> to vector<1x32xi32>
      %convert_element_type3A_515 = arith.sitofp %convert_element_type3A_514 : vector<1x32xi32> to vector<1x32xf32>
      %mul3A_516 = vector.broadcast %broadcast_in_dim3A_510 : vector<512x1xf32> to vector<512x32xf32>
      %mul3A_517 = vector.broadcast %convert_element_type3A_515 : vector<1x32xf32> to vector<512x32xf32>
      %mul3A_518 = arith.mulf %mul3A_516, %mul3A_517 : vector<512x32xf32>
      %add3A_519 = arith.addf %add3A_499, %mul3A_518 : vector<512x32xf32>
      %eq3A_520 = arith.constant 2.200000e+01 : f32
      %eq3A_521 = vector.broadcast %eq3A_520 : f32 to vector<512x512xf32>
      %eq3A_522 = arith.cmpf oeq, %add3A_72, %eq3A_521 : vector<512x512xf32>
      %jit3A_523 = arith.constant 0.000000e+00 : f32
      %broadcast_in_dim3A_524 = vector.broadcast %jit3A_523 : f32 to vector<512x512xf32>
      %select_n3A_525 = arith.select %eq3A_522, %mul3A_78, %broadcast_in_dim3A_524 : vector<512x512xi1>, vector<512x512xf32>
      %mul3A_526 = vector.broadcast %convert_element_type3A_82 : vector<1x512xf32> to vector<512x512xf32>
      %mul3A_527 = arith.mulf %select_n3A_525, %mul3A_526 : vector<512x512xf32>
      %reduce_sum3A_528 = arith.constant dense<0.000000e+00> : vector<512xf32>
      %reduce_sum3A_529 = vector.multi_reduction <add>, %mul3A_527, %reduce_sum3A_528 [1] : vector<512x512xf32> to vector<512xf32>
      %broadcast_in_dim3A_530 = vector.shape_cast %reduce_sum3A_529 : vector<512xf32> to vector<512x1xf32>
      %eq3A_531 = arith.constant 22 : i32
      %eq3A_532 = vector.broadcast %eq3A_531 : i32 to vector<1x32xi32>
      %eq3A_533 = arith.cmpi eq, %iota3A_8, %eq3A_532 : vector<1x32xi32>
      %convert_element_type3A_534 = arith.extui %eq3A_533 : vector<1x32xi1> to vector<1x32xi32>
      %convert_element_type3A_535 = arith.sitofp %convert_element_type3A_534 : vector<1x32xi32> to vector<1x32xf32>
      %mul3A_536 = vector.broadcast %broadcast_in_dim3A_530 : vector<512x1xf32> to vector<512x32xf32>
      %mul3A_537 = vector.broadcast %convert_element_type3A_535 : vector<1x32xf32> to vector<512x32xf32>
      %mul3A_538 = arith.mulf %mul3A_536, %mul3A_537 : vector<512x32xf32>
      %add3A_539 = arith.addf %add3A_519, %mul3A_538 : vector<512x32xf32>
      %eq3A_540 = arith.constant 2.300000e+01 : f32
      %eq3A_541 = vector.broadcast %eq3A_540 : f32 to vector<512x512xf32>
      %eq3A_542 = arith.cmpf oeq, %add3A_72, %eq3A_541 : vector<512x512xf32>
      %jit3A_543 = arith.constant 0.000000e+00 : f32
      %broadcast_in_dim3A_544 = vector.broadcast %jit3A_543 : f32 to vector<512x512xf32>
      %select_n3A_545 = arith.select %eq3A_542, %mul3A_78, %broadcast_in_dim3A_544 : vector<512x512xi1>, vector<512x512xf32>
      %mul3A_546 = vector.broadcast %convert_element_type3A_82 : vector<1x512xf32> to vector<512x512xf32>
      %mul3A_547 = arith.mulf %select_n3A_545, %mul3A_546 : vector<512x512xf32>
      %reduce_sum3A_548 = arith.constant dense<0.000000e+00> : vector<512xf32>
      %reduce_sum3A_549 = vector.multi_reduction <add>, %mul3A_547, %reduce_sum3A_548 [1] : vector<512x512xf32> to vector<512xf32>
      %broadcast_in_dim3A_550 = vector.shape_cast %reduce_sum3A_549 : vector<512xf32> to vector<512x1xf32>
      %eq3A_551 = arith.constant 23 : i32
      %eq3A_552 = vector.broadcast %eq3A_551 : i32 to vector<1x32xi32>
      %eq3A_553 = arith.cmpi eq, %iota3A_8, %eq3A_552 : vector<1x32xi32>
      %convert_element_type3A_554 = arith.extui %eq3A_553 : vector<1x32xi1> to vector<1x32xi32>
      %convert_element_type3A_555 = arith.sitofp %convert_element_type3A_554 : vector<1x32xi32> to vector<1x32xf32>
      %mul3A_556 = vector.broadcast %broadcast_in_dim3A_550 : vector<512x1xf32> to vector<512x32xf32>
      %mul3A_557 = vector.broadcast %convert_element_type3A_555 : vector<1x32xf32> to vector<512x32xf32>
      %mul3A_558 = arith.mulf %mul3A_556, %mul3A_557 : vector<512x32xf32>
      %add3A_559 = arith.addf %add3A_539, %mul3A_558 : vector<512x32xf32>
      %eq3A_560 = arith.constant 2.400000e+01 : f32
      %eq3A_561 = vector.broadcast %eq3A_560 : f32 to vector<512x512xf32>
      %eq3A_562 = arith.cmpf oeq, %add3A_72, %eq3A_561 : vector<512x512xf32>
      %jit3A_563 = arith.constant 0.000000e+00 : f32
      %broadcast_in_dim3A_564 = vector.broadcast %jit3A_563 : f32 to vector<512x512xf32>
      %select_n3A_565 = arith.select %eq3A_562, %mul3A_78, %broadcast_in_dim3A_564 : vector<512x512xi1>, vector<512x512xf32>
      %mul3A_566 = vector.broadcast %convert_element_type3A_82 : vector<1x512xf32> to vector<512x512xf32>
      %mul3A_567 = arith.mulf %select_n3A_565, %mul3A_566 : vector<512x512xf32>
      %reduce_sum3A_568 = arith.constant dense<0.000000e+00> : vector<512xf32>
      %reduce_sum3A_569 = vector.multi_reduction <add>, %mul3A_567, %reduce_sum3A_568 [1] : vector<512x512xf32> to vector<512xf32>
      %broadcast_in_dim3A_570 = vector.shape_cast %reduce_sum3A_569 : vector<512xf32> to vector<512x1xf32>
      %eq3A_571 = arith.constant 24 : i32
      %eq3A_572 = vector.broadcast %eq3A_571 : i32 to vector<1x32xi32>
      %eq3A_573 = arith.cmpi eq, %iota3A_8, %eq3A_572 : vector<1x32xi32>
      %convert_element_type3A_574 = arith.extui %eq3A_573 : vector<1x32xi1> to vector<1x32xi32>
      %convert_element_type3A_575 = arith.sitofp %convert_element_type3A_574 : vector<1x32xi32> to vector<1x32xf32>
      %mul3A_576 = vector.broadcast %broadcast_in_dim3A_570 : vector<512x1xf32> to vector<512x32xf32>
      %mul3A_577 = vector.broadcast %convert_element_type3A_575 : vector<1x32xf32> to vector<512x32xf32>
      %mul3A_578 = arith.mulf %mul3A_576, %mul3A_577 : vector<512x32xf32>
      %add3A_579 = arith.addf %add3A_559, %mul3A_578 : vector<512x32xf32>
      %eq3A_580 = arith.constant 2.500000e+01 : f32
      %eq3A_581 = vector.broadcast %eq3A_580 : f32 to vector<512x512xf32>
      %eq3A_582 = arith.cmpf oeq, %add3A_72, %eq3A_581 : vector<512x512xf32>
      %jit3A_583 = arith.constant 0.000000e+00 : f32
      %broadcast_in_dim3A_584 = vector.broadcast %jit3A_583 : f32 to vector<512x512xf32>
      %select_n3A_585 = arith.select %eq3A_582, %mul3A_78, %broadcast_in_dim3A_584 : vector<512x512xi1>, vector<512x512xf32>
      %mul3A_586 = vector.broadcast %convert_element_type3A_82 : vector<1x512xf32> to vector<512x512xf32>
      %mul3A_587 = arith.mulf %select_n3A_585, %mul3A_586 : vector<512x512xf32>
      %reduce_sum3A_588 = arith.constant dense<0.000000e+00> : vector<512xf32>
      %reduce_sum3A_589 = vector.multi_reduction <add>, %mul3A_587, %reduce_sum3A_588 [1] : vector<512x512xf32> to vector<512xf32>
      %broadcast_in_dim3A_590 = vector.shape_cast %reduce_sum3A_589 : vector<512xf32> to vector<512x1xf32>
      %eq3A_591 = arith.constant 25 : i32
      %eq3A_592 = vector.broadcast %eq3A_591 : i32 to vector<1x32xi32>
      %eq3A_593 = arith.cmpi eq, %iota3A_8, %eq3A_592 : vector<1x32xi32>
      %convert_element_type3A_594 = arith.extui %eq3A_593 : vector<1x32xi1> to vector<1x32xi32>
      %convert_element_type3A_595 = arith.sitofp %convert_element_type3A_594 : vector<1x32xi32> to vector<1x32xf32>
      %mul3A_596 = vector.broadcast %broadcast_in_dim3A_590 : vector<512x1xf32> to vector<512x32xf32>
      %mul3A_597 = vector.broadcast %convert_element_type3A_595 : vector<1x32xf32> to vector<512x32xf32>
      %mul3A_598 = arith.mulf %mul3A_596, %mul3A_597 : vector<512x32xf32>
      %add3A_599 = arith.addf %add3A_579, %mul3A_598 : vector<512x32xf32>
      %eq3A_600 = arith.constant 2.600000e+01 : f32
      %eq3A_601 = vector.broadcast %eq3A_600 : f32 to vector<512x512xf32>
      %eq3A_602 = arith.cmpf oeq, %add3A_72, %eq3A_601 : vector<512x512xf32>
      %jit3A_603 = arith.constant 0.000000e+00 : f32
      %broadcast_in_dim3A_604 = vector.broadcast %jit3A_603 : f32 to vector<512x512xf32>
      %select_n3A_605 = arith.select %eq3A_602, %mul3A_78, %broadcast_in_dim3A_604 : vector<512x512xi1>, vector<512x512xf32>
      %mul3A_606 = vector.broadcast %convert_element_type3A_82 : vector<1x512xf32> to vector<512x512xf32>
      %mul3A_607 = arith.mulf %select_n3A_605, %mul3A_606 : vector<512x512xf32>
      %reduce_sum3A_608 = arith.constant dense<0.000000e+00> : vector<512xf32>
      %reduce_sum3A_609 = vector.multi_reduction <add>, %mul3A_607, %reduce_sum3A_608 [1] : vector<512x512xf32> to vector<512xf32>
      %broadcast_in_dim3A_610 = vector.shape_cast %reduce_sum3A_609 : vector<512xf32> to vector<512x1xf32>
      %eq3A_611 = arith.constant 26 : i32
      %eq3A_612 = vector.broadcast %eq3A_611 : i32 to vector<1x32xi32>
      %eq3A_613 = arith.cmpi eq, %iota3A_8, %eq3A_612 : vector<1x32xi32>
      %convert_element_type3A_614 = arith.extui %eq3A_613 : vector<1x32xi1> to vector<1x32xi32>
      %convert_element_type3A_615 = arith.sitofp %convert_element_type3A_614 : vector<1x32xi32> to vector<1x32xf32>
      %mul3A_616 = vector.broadcast %broadcast_in_dim3A_610 : vector<512x1xf32> to vector<512x32xf32>
      %mul3A_617 = vector.broadcast %convert_element_type3A_615 : vector<1x32xf32> to vector<512x32xf32>
      %mul3A_618 = arith.mulf %mul3A_616, %mul3A_617 : vector<512x32xf32>
      %add3A_619 = arith.addf %add3A_599, %mul3A_618 : vector<512x32xf32>
      %eq3A_620 = arith.constant 2.700000e+01 : f32
      %eq3A_621 = vector.broadcast %eq3A_620 : f32 to vector<512x512xf32>
      %eq3A_622 = arith.cmpf oeq, %add3A_72, %eq3A_621 : vector<512x512xf32>
      %jit3A_623 = arith.constant 0.000000e+00 : f32
      %broadcast_in_dim3A_624 = vector.broadcast %jit3A_623 : f32 to vector<512x512xf32>
      %select_n3A_625 = arith.select %eq3A_622, %mul3A_78, %broadcast_in_dim3A_624 : vector<512x512xi1>, vector<512x512xf32>
      %mul3A_626 = vector.broadcast %convert_element_type3A_82 : vector<1x512xf32> to vector<512x512xf32>
      %mul3A_627 = arith.mulf %select_n3A_625, %mul3A_626 : vector<512x512xf32>
      %reduce_sum3A_628 = arith.constant dense<0.000000e+00> : vector<512xf32>
      %reduce_sum3A_629 = vector.multi_reduction <add>, %mul3A_627, %reduce_sum3A_628 [1] : vector<512x512xf32> to vector<512xf32>
      %broadcast_in_dim3A_630 = vector.shape_cast %reduce_sum3A_629 : vector<512xf32> to vector<512x1xf32>
      %eq3A_631 = arith.constant 27 : i32
      %eq3A_632 = vector.broadcast %eq3A_631 : i32 to vector<1x32xi32>
      %eq3A_633 = arith.cmpi eq, %iota3A_8, %eq3A_632 : vector<1x32xi32>
      %convert_element_type3A_634 = arith.extui %eq3A_633 : vector<1x32xi1> to vector<1x32xi32>
      %convert_element_type3A_635 = arith.sitofp %convert_element_type3A_634 : vector<1x32xi32> to vector<1x32xf32>
      %mul3A_636 = vector.broadcast %broadcast_in_dim3A_630 : vector<512x1xf32> to vector<512x32xf32>
      %mul3A_637 = vector.broadcast %convert_element_type3A_635 : vector<1x32xf32> to vector<512x32xf32>
      %mul3A_638 = arith.mulf %mul3A_636, %mul3A_637 : vector<512x32xf32>
      %add3A_639 = arith.addf %add3A_619, %mul3A_638 : vector<512x32xf32>
      %eq3A_640 = arith.constant 2.800000e+01 : f32
      %eq3A_641 = vector.broadcast %eq3A_640 : f32 to vector<512x512xf32>
      %eq3A_642 = arith.cmpf oeq, %add3A_72, %eq3A_641 : vector<512x512xf32>
      %jit3A_643 = arith.constant 0.000000e+00 : f32
      %broadcast_in_dim3A_644 = vector.broadcast %jit3A_643 : f32 to vector<512x512xf32>
      %select_n3A_645 = arith.select %eq3A_642, %mul3A_78, %broadcast_in_dim3A_644 : vector<512x512xi1>, vector<512x512xf32>
      %mul3A_646 = vector.broadcast %convert_element_type3A_82 : vector<1x512xf32> to vector<512x512xf32>
      %mul3A_647 = arith.mulf %select_n3A_645, %mul3A_646 : vector<512x512xf32>
      %reduce_sum3A_648 = arith.constant dense<0.000000e+00> : vector<512xf32>
      %reduce_sum3A_649 = vector.multi_reduction <add>, %mul3A_647, %reduce_sum3A_648 [1] : vector<512x512xf32> to vector<512xf32>
      %broadcast_in_dim3A_650 = vector.shape_cast %reduce_sum3A_649 : vector<512xf32> to vector<512x1xf32>
      %eq3A_651 = arith.constant 28 : i32
      %eq3A_652 = vector.broadcast %eq3A_651 : i32 to vector<1x32xi32>
      %eq3A_653 = arith.cmpi eq, %iota3A_8, %eq3A_652 : vector<1x32xi32>
      %convert_element_type3A_654 = arith.extui %eq3A_653 : vector<1x32xi1> to vector<1x32xi32>
      %convert_element_type3A_655 = arith.sitofp %convert_element_type3A_654 : vector<1x32xi32> to vector<1x32xf32>
      %mul3A_656 = vector.broadcast %broadcast_in_dim3A_650 : vector<512x1xf32> to vector<512x32xf32>
      %mul3A_657 = vector.broadcast %convert_element_type3A_655 : vector<1x32xf32> to vector<512x32xf32>
      %mul3A_658 = arith.mulf %mul3A_656, %mul3A_657 : vector<512x32xf32>
      %add3A_659 = arith.addf %add3A_639, %mul3A_658 : vector<512x32xf32>
      %eq3A_660 = arith.constant 2.900000e+01 : f32
      %eq3A_661 = vector.broadcast %eq3A_660 : f32 to vector<512x512xf32>
      %eq3A_662 = arith.cmpf oeq, %add3A_72, %eq3A_661 : vector<512x512xf32>
      %jit3A_663 = arith.constant 0.000000e+00 : f32
      %broadcast_in_dim3A_664 = vector.broadcast %jit3A_663 : f32 to vector<512x512xf32>
      %select_n3A_665 = arith.select %eq3A_662, %mul3A_78, %broadcast_in_dim3A_664 : vector<512x512xi1>, vector<512x512xf32>
      %mul3A_666 = vector.broadcast %convert_element_type3A_82 : vector<1x512xf32> to vector<512x512xf32>
      %mul3A_667 = arith.mulf %select_n3A_665, %mul3A_666 : vector<512x512xf32>
      %reduce_sum3A_668 = arith.constant dense<0.000000e+00> : vector<512xf32>
      %reduce_sum3A_669 = vector.multi_reduction <add>, %mul3A_667, %reduce_sum3A_668 [1] : vector<512x512xf32> to vector<512xf32>
      %broadcast_in_dim3A_670 = vector.shape_cast %reduce_sum3A_669 : vector<512xf32> to vector<512x1xf32>
      %eq3A_671 = arith.constant 29 : i32
      %eq3A_672 = vector.broadcast %eq3A_671 : i32 to vector<1x32xi32>
      %eq3A_673 = arith.cmpi eq, %iota3A_8, %eq3A_672 : vector<1x32xi32>
      %convert_element_type3A_674 = arith.extui %eq3A_673 : vector<1x32xi1> to vector<1x32xi32>
      %convert_element_type3A_675 = arith.sitofp %convert_element_type3A_674 : vector<1x32xi32> to vector<1x32xf32>
      %mul3A_676 = vector.broadcast %broadcast_in_dim3A_670 : vector<512x1xf32> to vector<512x32xf32>
      %mul3A_677 = vector.broadcast %convert_element_type3A_675 : vector<1x32xf32> to vector<512x32xf32>
      %mul3A_678 = arith.mulf %mul3A_676, %mul3A_677 : vector<512x32xf32>
      %add3A_679 = arith.addf %add3A_659, %mul3A_678 : vector<512x32xf32>
      %eq3A_680 = arith.constant 3.000000e+01 : f32
      %eq3A_681 = vector.broadcast %eq3A_680 : f32 to vector<512x512xf32>
      %eq3A_682 = arith.cmpf oeq, %add3A_72, %eq3A_681 : vector<512x512xf32>
      %jit3A_683 = arith.constant 0.000000e+00 : f32
      %broadcast_in_dim3A_684 = vector.broadcast %jit3A_683 : f32 to vector<512x512xf32>
      %select_n3A_685 = arith.select %eq3A_682, %mul3A_78, %broadcast_in_dim3A_684 : vector<512x512xi1>, vector<512x512xf32>
      %mul3A_686 = vector.broadcast %convert_element_type3A_82 : vector<1x512xf32> to vector<512x512xf32>
      %mul3A_687 = arith.mulf %select_n3A_685, %mul3A_686 : vector<512x512xf32>
      %reduce_sum3A_688 = arith.constant dense<0.000000e+00> : vector<512xf32>
      %reduce_sum3A_689 = vector.multi_reduction <add>, %mul3A_687, %reduce_sum3A_688 [1] : vector<512x512xf32> to vector<512xf32>
      %broadcast_in_dim3A_690 = vector.shape_cast %reduce_sum3A_689 : vector<512xf32> to vector<512x1xf32>
      %eq3A_691 = arith.constant 30 : i32
      %eq3A_692 = vector.broadcast %eq3A_691 : i32 to vector<1x32xi32>
      %eq3A_693 = arith.cmpi eq, %iota3A_8, %eq3A_692 : vector<1x32xi32>
      %convert_element_type3A_694 = arith.extui %eq3A_693 : vector<1x32xi1> to vector<1x32xi32>
      %convert_element_type3A_695 = arith.sitofp %convert_element_type3A_694 : vector<1x32xi32> to vector<1x32xf32>
      %mul3A_696 = vector.broadcast %broadcast_in_dim3A_690 : vector<512x1xf32> to vector<512x32xf32>
      %mul3A_697 = vector.broadcast %convert_element_type3A_695 : vector<1x32xf32> to vector<512x32xf32>
      %mul3A_698 = arith.mulf %mul3A_696, %mul3A_697 : vector<512x32xf32>
      %add3A_699 = arith.addf %add3A_679, %mul3A_698 : vector<512x32xf32>
      %eq3A_700 = arith.constant 3.100000e+01 : f32
      %eq3A_701 = vector.broadcast %eq3A_700 : f32 to vector<512x512xf32>
      %eq3A_702 = arith.cmpf oeq, %add3A_72, %eq3A_701 : vector<512x512xf32>
      %jit3A_703 = arith.constant 0.000000e+00 : f32
      %broadcast_in_dim3A_704 = vector.broadcast %jit3A_703 : f32 to vector<512x512xf32>
      %select_n3A_705 = arith.select %eq3A_702, %mul3A_78, %broadcast_in_dim3A_704 : vector<512x512xi1>, vector<512x512xf32>
      %mul3A_706 = vector.broadcast %convert_element_type3A_82 : vector<1x512xf32> to vector<512x512xf32>
      %mul3A_707 = arith.mulf %select_n3A_705, %mul3A_706 : vector<512x512xf32>
      %reduce_sum3A_708 = arith.constant dense<0.000000e+00> : vector<512xf32>
      %reduce_sum3A_709 = vector.multi_reduction <add>, %mul3A_707, %reduce_sum3A_708 [1] : vector<512x512xf32> to vector<512xf32>
      %broadcast_in_dim3A_710 = vector.shape_cast %reduce_sum3A_709 : vector<512xf32> to vector<512x1xf32>
      %eq3A_711 = arith.constant 31 : i32
      %eq3A_712 = vector.broadcast %eq3A_711 : i32 to vector<1x32xi32>
      %eq3A_713 = arith.cmpi eq, %iota3A_8, %eq3A_712 : vector<1x32xi32>
      %convert_element_type3A_714 = arith.extui %eq3A_713 : vector<1x32xi1> to vector<1x32xi32>
      %convert_element_type3A_715 = arith.sitofp %convert_element_type3A_714 : vector<1x32xi32> to vector<1x32xf32>
      %mul3A_716 = vector.broadcast %broadcast_in_dim3A_710 : vector<512x1xf32> to vector<512x32xf32>
      %mul3A_717 = vector.broadcast %convert_element_type3A_715 : vector<1x32xf32> to vector<512x32xf32>
      %mul3A_718 = arith.mulf %mul3A_716, %mul3A_717 : vector<512x32xf32>
      %add3A_719 = arith.addf %add3A_699, %mul3A_718 : vector<512x32xf32>
      %reduce_sum3A_720 = arith.constant dense<0.000000e+00> : vector<512xf32>
      %reduce_sum3A_721 = vector.multi_reduction <add>, %convert_element_type3A_69, %reduce_sum3A_720 [1] : vector<512x512xf32> to vector<512xf32>
      %broadcast_in_dim3A_722 = vector.shape_cast %reduce_sum3A_721 : vector<512xf32> to vector<512x1xf32>
      %add3A_723 = arith.addf %scan3A_33, %broadcast_in_dim3A_722 : vector<512x1xf32>
      scf.yield %add3A_723, %add3A_719 : vector<512x1xf32>, vector<512x32xf32>
    }
    %scan3A_16 = arith.constant 8 : i32
    %iota3A_17 = tpu.iota {dimensions = array<i32: 1>} : vector<512x32xi32>
    %convert_element_type3A_18 = arith.sitofp %iota3A_17 : vector<512x32xi32> to vector<512x32xf32>
    %slice3A_19 = vector.extract_strided_slice %scan3A_15#1 {offsets = [0, 0], sizes = [512, 1], strides = [1, 1]} : vector<512x32xf32> to vector<512x1xf32>
    %lt3A_20 = vector.broadcast %scan3A_15#0 : vector<512x1xf32> to vector<512x32xf32>
    %lt3A_21 = arith.cmpf olt, %convert_element_type3A_18, %lt3A_20 : vector<512x32xf32>
    %broadcast_in_dim3A_22 = vector.shape_cast %slice3A_19 : vector<512x1xf32> to vector<512x1xf32>
    %broadcast_in_dim3A_23 = vector.broadcast %broadcast_in_dim3A_22 : vector<512x1xf32> to vector<512x32xf32>
    %select_n3A = arith.select %lt3A_21, %scan3A_15#1, %broadcast_in_dim3A_23 : vector<512x32xi1>, vector<512x32xf32>
    %convert_element_type3A_24 = arith.fptosi %select_n3A : vector<512x32xf32> to vector<512x32xi32>
    %mul3A = arith.constant 4096 : i32
    %mul3A_25 = arith.muli %arg0, %mul3A : i32
    %add3A = vector.broadcast %mul3A_25 : i32 to vector<512x32xi32>
    %add3A_26 = arith.addi %convert_element_type3A_24, %add3A : vector<512x32xi32>
    %swap3A = arith.constant 0 : index
    %swap3A_27 = arith.constant 0 : index
    %swap3A_28 = arith.constant 0 : index
    %swap3A_29 = vector.load %arg4[%swap3A, %swap3A_27, %swap3A_28] : memref<1x512x32xi32, #tpu.memory_space<vmem>>, vector<1x512x32xi32>
    %swap3A_30 = vector.shape_cast %swap3A_29 : vector<1x512x32xi32> to vector<512x32xi32>
    %swap3A_31 = vector.shape_cast %add3A_26 : vector<512x32xi32> to vector<1x512x32xi32>
    tpu.vector_store %arg4[%swap3A, %swap3A_27, %swap3A_28], %swap3A_31 {strides = array<i32>} : memref<1x512x32xi32, #tpu.memory_space<vmem>>, vector<1x512x32xi32>,
    return
  }
  func.func @transform_0(%arg0: i32, %arg1: i32) -> (i32, i32, i32) {
    %c0_i32 = arith.constant 0 : i32
    %c0_i32_0 = arith.constant 0 : i32
    return %arg0, %arg1, %c0_i32 : i32, i32, i32
  }
  func.func @transform_1(%arg0: i32, %arg1: i32) -> (i32, i32, i32) {
    %c0_i32 = arith.constant 0 : i32
    %c0_i32_0 = arith.constant 0 : i32
    %c0_i32_1 = arith.constant 0 : i32
    return %arg0, %c0_i32, %c0_i32_0 : i32, i32, i32
  }
  func.func @transform_2(%arg0: i32, %arg1: i32) -> (i32, i32, i32) {
    %c0_i32 = arith.constant 0 : i32
    %c0_i32_0 = arith.constant 0 : i32
    return %arg0, %arg1, %c0_i32 : i32, i32, i32
  }
}

module attributes {stable_mosaic.version = 14 : i64} {
  func.func @_uv_body(%arg0: i32, %arg1: i32, %arg2: memref<1x512x128xf32, #tpu.memory_space<vmem>>, %arg3: memref<1x512x128xf32, #tpu.memory_space<vmem>>, %arg4: memref<1x512x3xf32, #tpu.memory_space<vmem>>, %arg5: memref<128x259xf32, #tpu.memory_space<vmem>>, %arg6: memref<128x259xf32, #tpu.memory_space<vmem>>, %arg7: memref<128x131xf32, #tpu.memory_space<vmem>>, %arg8: memref<128xf32, #tpu.memory_space<vmem>>, %arg9: memref<128xf32, #tpu.memory_space<vmem>>, %arg10: memref<128xf32, #tpu.memory_space<vmem>>, %arg11: memref<1x512x384xf32, #tpu.memory_space<vmem>>, %arg12: memref<1x512x384xf32, #tpu.memory_space<vmem>>) attributes {dimension_semantics = [#tpu.dimension_semantics<arbitrary>, #tpu.dimension_semantics<arbitrary>], iteration_bounds = array<i64: 2, 8>, scalar_prefetch = 0 : i64, scratch_operands = 0 : i64, tpu.core_type = #tpu.core_type<tc>, window_params = [{transform_indices = @transform_0, window_bounds = array<i64: 1, 512, 128>}, {transform_indices = @transform_1, window_bounds = array<i64: 1, 512, 128>}, {transform_indices = @transform_2, window_bounds = array<i64: 1, 512, 3>}, {pipeline_mode = #tpu.pipeline_mode<synchronous>, transform_indices = @transform_3, window_bounds = array<i64: 128, 259>}, {pipeline_mode = #tpu.pipeline_mode<synchronous>, transform_indices = @transform_4, window_bounds = array<i64: 128, 259>}, {pipeline_mode = #tpu.pipeline_mode<synchronous>, transform_indices = @transform_5, window_bounds = array<i64: 128, 131>}, {pipeline_mode = #tpu.pipeline_mode<synchronous>, transform_indices = @transform_6, window_bounds = array<i64: 128>}, {pipeline_mode = #tpu.pipeline_mode<synchronous>, transform_indices = @transform_7, window_bounds = array<i64: 128>}, {pipeline_mode = #tpu.pipeline_mode<synchronous>, transform_indices = @transform_8, window_bounds = array<i64: 128>}, {transform_indices = @transform_9, window_bounds = array<i64: 1, 512, 384>}, {transform_indices = @transform_10, window_bounds = array<i64: 1, 512, 384>}]} {
    %get3A = arith.constant 0 : index
    %get3A_0 = arith.constant 0 : index
    %get3A_1 = arith.constant 0 : index
    %get3A_2 = vector.load %arg2[%get3A, %get3A_0, %get3A_1] : memref<1x512x128xf32, #tpu.memory_space<vmem>>, vector<1x512x128xf32>
    %get3A_3 = vector.shape_cast %get3A_2 : vector<1x512x128xf32> to vector<512x128xf32>
    %get3A_4 = arith.constant 0 : index
    %get3A_5 = arith.constant 0 : index
    %get3A_6 = arith.constant 0 : index
    %get3A_7 = vector.load %arg3[%get3A_4, %get3A_5, %get3A_6] : memref<1x512x128xf32, #tpu.memory_space<vmem>>, vector<1x512x128xf32>
    %get3A_8 = vector.shape_cast %get3A_7 : vector<1x512x128xf32> to vector<512x128xf32>
    %get3A_9 = arith.constant 0 : index
    %get3A_10 = arith.constant 0 : index
    %get3A_11 = arith.constant 0 : index
    %get3A_12 = vector.load %arg4[%get3A_9, %get3A_10, %get3A_11] : memref<1x512x3xf32, #tpu.memory_space<vmem>>, vector<1x512x3xf32>
    %get3A_13 = vector.shape_cast %get3A_12 : vector<1x512x3xf32> to vector<512x3xf32>
    %get3A_14 = arith.constant 0 : index
    %get3A_15 = arith.constant 0 : index
    %get3A_16 = vector.load %arg5[%get3A_14, %get3A_15] : memref<128x259xf32, #tpu.memory_space<vmem>>, vector<128x259xf32>
    %slice3A = vector.extract_strided_slice %get3A_16 {offsets = [0, 0], sizes = [128, 128], strides = [1, 1]} : vector<128x259xf32> to vector<128x128xf32>
    %slice3A_17 = vector.extract_strided_slice %get3A_16 {offsets = [0, 256], sizes = [128, 3], strides = [1, 1]} : vector<128x259xf32> to vector<128x3xf32>
    %dot_general3A = arith.constant dense<0.000000e+00> : vector<512x128xf32>
    %dot_general3A_18 = tpu.matmul %get3A_13, %slice3A_17, %dot_general3A {dimension_numbers = #tpu.dot_dimension_numbers<[1], [1], [0], [0], [0, 0, 1, 0], [], []>, transpose_lhs_hint = false} : vector<512x3xf32>, vector<128x3xf32>, vector<512x128xf32> -> vector<512x128xf32>
    %dot_general3A_19 = arith.constant dense<0.000000e+00> : vector<512x128xf32>
    %dot_general3A_20 = tpu.matmul %get3A_3, %slice3A, %dot_general3A_19 {dimension_numbers = #tpu.dot_dimension_numbers<[1], [1], [0], [0], [0, 0, 1, 0], [], []>, transpose_lhs_hint = false} : vector<512x128xf32>, vector<128x128xf32>, vector<512x128xf32> -> vector<512x128xf32>
    %add3A = arith.addf %dot_general3A_20, %dot_general3A_18 : vector<512x128xf32>
    %get3A_21 = arith.constant 0 : index
    %get3A_22 = vector.load %arg8[%get3A_21] : memref<128xf32, #tpu.memory_space<vmem>>, vector<128xf32>
    %reshape3A = vector.shape_cast %get3A_22 : vector<128xf32> to vector<1x128xf32>
    %slice3A_23 = vector.extract_strided_slice %get3A_16 {offsets = [0, 128], sizes = [128, 128], strides = [1, 1]} : vector<128x259xf32> to vector<128x128xf32>
    %dot_general3A_24 = arith.constant dense<0.000000e+00> : vector<512x128xf32>
    %dot_general3A_25 = tpu.matmul %get3A_8, %slice3A_23, %dot_general3A_24 {dimension_numbers = #tpu.dot_dimension_numbers<[1], [1], [0], [0], [0, 0, 1, 0], [], []>, transpose_lhs_hint = false} : vector<512x128xf32>, vector<128x128xf32>, vector<512x128xf32> -> vector<512x128xf32>
    %sub3A = arith.subf %dot_general3A_25, %dot_general3A_18 : vector<512x128xf32>
    %add3A_26 = vector.broadcast %reshape3A : vector<1x128xf32> to vector<512x128xf32>
    %add3A_27 = arith.addf %sub3A, %add3A_26 : vector<512x128xf32>
    %get3A_28 = arith.constant 0 : index
    %get3A_29 = arith.constant 0 : index
    %get3A_30 = vector.load %arg6[%get3A_28, %get3A_29] : memref<128x259xf32, #tpu.memory_space<vmem>>, vector<128x259xf32>
    %slice3A_31 = vector.extract_strided_slice %get3A_30 {offsets = [0, 0], sizes = [128, 128], strides = [1, 1]} : vector<128x259xf32> to vector<128x128xf32>
    %slice3A_32 = vector.extract_strided_slice %get3A_30 {offsets = [0, 256], sizes = [128, 3], strides = [1, 1]} : vector<128x259xf32> to vector<128x3xf32>
    %dot_general3A_33 = arith.constant dense<0.000000e+00> : vector<512x128xf32>
    %dot_general3A_34 = tpu.matmul %get3A_13, %slice3A_32, %dot_general3A_33 {dimension_numbers = #tpu.dot_dimension_numbers<[1], [1], [0], [0], [0, 0, 1, 0], [], []>, transpose_lhs_hint = false} : vector<512x3xf32>, vector<128x3xf32>, vector<512x128xf32> -> vector<512x128xf32>
    %dot_general3A_35 = arith.constant dense<0.000000e+00> : vector<512x128xf32>
    %dot_general3A_36 = tpu.matmul %get3A_3, %slice3A_31, %dot_general3A_35 {dimension_numbers = #tpu.dot_dimension_numbers<[1], [1], [0], [0], [0, 0, 1, 0], [], []>, transpose_lhs_hint = false} : vector<512x128xf32>, vector<128x128xf32>, vector<512x128xf32> -> vector<512x128xf32>
    %add3A_37 = arith.addf %dot_general3A_36, %dot_general3A_34 : vector<512x128xf32>
    %get3A_38 = arith.constant 0 : index
    %get3A_39 = vector.load %arg9[%get3A_38] : memref<128xf32, #tpu.memory_space<vmem>>, vector<128xf32>
    %reshape3A_40 = vector.shape_cast %get3A_39 : vector<128xf32> to vector<1x128xf32>
    %slice3A_41 = vector.extract_strided_slice %get3A_30 {offsets = [0, 128], sizes = [128, 128], strides = [1, 1]} : vector<128x259xf32> to vector<128x128xf32>
    %dot_general3A_42 = arith.constant dense<0.000000e+00> : vector<512x128xf32>
    %dot_general3A_43 = tpu.matmul %get3A_8, %slice3A_41, %dot_general3A_42 {dimension_numbers = #tpu.dot_dimension_numbers<[1], [1], [0], [0], [0, 0, 1, 0], [], []>, transpose_lhs_hint = false} : vector<512x128xf32>, vector<128x128xf32>, vector<512x128xf32> -> vector<512x128xf32>
    %sub3A_44 = arith.subf %dot_general3A_43, %dot_general3A_34 : vector<512x128xf32>
    %add3A_45 = vector.broadcast %reshape3A_40 : vector<1x128xf32> to vector<512x128xf32>
    %add3A_46 = arith.addf %sub3A_44, %add3A_45 : vector<512x128xf32>
    %get3A_47 = arith.constant 0 : index
    %get3A_48 = arith.constant 0 : index
    %get3A_49 = vector.load %arg7[%get3A_47, %get3A_48] : memref<128x131xf32, #tpu.memory_space<vmem>>, vector<128x131xf32>
    %slice3A_50 = vector.extract_strided_slice %get3A_49 {offsets = [0, 0], sizes = [128, 128], strides = [1, 1]} : vector<128x131xf32> to vector<128x128xf32>
    %slice3A_51 = vector.extract_strided_slice %get3A_49 {offsets = [0, 128], sizes = [128, 3], strides = [1, 1]} : vector<128x131xf32> to vector<128x3xf32>
    %dot_general3A_52 = arith.constant dense<0.000000e+00> : vector<512x128xf32>
    %dot_general3A_53 = tpu.matmul %get3A_13, %slice3A_51, %dot_general3A_52 {dimension_numbers = #tpu.dot_dimension_numbers<[1], [1], [0], [0], [0, 0, 1, 0], [], []>, transpose_lhs_hint = false} : vector<512x3xf32>, vector<128x3xf32>, vector<512x128xf32> -> vector<512x128xf32>
    %dot_general3A_54 = arith.constant dense<0.000000e+00> : vector<512x128xf32>
    %dot_general3A_55 = tpu.matmul %get3A_3, %slice3A_50, %dot_general3A_54 {dimension_numbers = #tpu.dot_dimension_numbers<[1], [1], [0], [0], [0, 0, 1, 0], [], []>, transpose_lhs_hint = false} : vector<512x128xf32>, vector<128x128xf32>, vector<512x128xf32> -> vector<512x128xf32>
    %add3A_56 = arith.addf %dot_general3A_55, %dot_general3A_53 : vector<512x128xf32>
    %get3A_57 = arith.constant 0 : index
    %get3A_58 = vector.load %arg10[%get3A_57] : memref<128xf32, #tpu.memory_space<vmem>>, vector<128xf32>
    %reshape3A_59 = vector.shape_cast %get3A_58 : vector<128xf32> to vector<1x128xf32>
    %sub3A_60 = vector.broadcast %reshape3A_59 : vector<1x128xf32> to vector<512x128xf32>
    %sub3A_61 = arith.subf %sub3A_60, %dot_general3A_53 : vector<512x128xf32>
    %concatenate3A = tpu.concatenate %add3A, %add3A_37, %add3A_56 in 1 : vector<512x128xf32>, vector<512x128xf32>, vector<512x128xf32> -> vector<512x384xf32>
    %swap3A = arith.constant 0 : index
    %swap3A_62 = arith.constant 0 : index
    %swap3A_63 = arith.constant 0 : index
    %swap3A_64 = vector.load %arg11[%swap3A, %swap3A_62, %swap3A_63] : memref<1x512x384xf32, #tpu.memory_space<vmem>>, vector<1x512x384xf32>
    %swap3A_65 = vector.shape_cast %swap3A_64 : vector<1x512x384xf32> to vector<512x384xf32>
    %swap3A_66 = vector.shape_cast %concatenate3A : vector<512x384xf32> to vector<1x512x384xf32>
    tpu.vector_store %arg11[%swap3A, %swap3A_62, %swap3A_63], %swap3A_66 {strides = array<i32>} : memref<1x512x384xf32, #tpu.memory_space<vmem>>, vector<1x512x384xf32>,
    %concatenate3A_67 = tpu.concatenate %add3A_27, %add3A_46, %sub3A_61 in 1 : vector<512x128xf32>, vector<512x128xf32>, vector<512x128xf32> -> vector<512x384xf32>
    %swap3A_68 = arith.constant 0 : index
    %swap3A_69 = arith.constant 0 : index
    %swap3A_70 = arith.constant 0 : index
    %swap3A_71 = vector.load %arg12[%swap3A_68, %swap3A_69, %swap3A_70] : memref<1x512x384xf32, #tpu.memory_space<vmem>>, vector<1x512x384xf32>
    %swap3A_72 = vector.shape_cast %swap3A_71 : vector<1x512x384xf32> to vector<512x384xf32>
    %swap3A_73 = vector.shape_cast %concatenate3A_67 : vector<512x384xf32> to vector<1x512x384xf32>
    tpu.vector_store %arg12[%swap3A_68, %swap3A_69, %swap3A_70], %swap3A_73 {strides = array<i32>} : memref<1x512x384xf32, #tpu.memory_space<vmem>>, vector<1x512x384xf32>,
    return
  }
  func.func @transform_0(%arg0: i32, %arg1: i32) -> (i32, i32, i32) {
    %c0_i32 = arith.constant 0 : i32
    %c0_i32_0 = arith.constant 0 : i32
    return %arg0, %arg1, %c0_i32 : i32, i32, i32
  }
  func.func @transform_1(%arg0: i32, %arg1: i32) -> (i32, i32, i32) {
    %c0_i32 = arith.constant 0 : i32
    %c0_i32_0 = arith.constant 0 : i32
    return %arg0, %arg1, %c0_i32 : i32, i32, i32
  }
  func.func @transform_2(%arg0: i32, %arg1: i32) -> (i32, i32, i32) {
    %c0_i32 = arith.constant 0 : i32
    %c0_i32_0 = arith.constant 0 : i32
    return %arg0, %arg1, %c0_i32 : i32, i32, i32
  }
  func.func @transform_3(%arg0: i32, %arg1: i32) -> (i32, i32) {
    %c0_i32 = arith.constant 0 : i32
    %c0_i32_0 = arith.constant 0 : i32
    %c0_i32_1 = arith.constant 0 : i32
    return %c0_i32, %c0_i32_0 : i32, i32
  }
  func.func @transform_4(%arg0: i32, %arg1: i32) -> (i32, i32) {
    %c0_i32 = arith.constant 0 : i32
    %c0_i32_0 = arith.constant 0 : i32
    %c0_i32_1 = arith.constant 0 : i32
    return %c0_i32, %c0_i32_0 : i32, i32
  }
  func.func @transform_5(%arg0: i32, %arg1: i32) -> (i32, i32) {
    %c0_i32 = arith.constant 0 : i32
    %c0_i32_0 = arith.constant 0 : i32
    %c0_i32_1 = arith.constant 0 : i32
    return %c0_i32, %c0_i32_0 : i32, i32
  }
  func.func @transform_6(%arg0: i32, %arg1: i32) -> i32 {
    %c0_i32 = arith.constant 0 : i32
    %c0_i32_0 = arith.constant 0 : i32
    return %c0_i32 : i32
  }
  func.func @transform_7(%arg0: i32, %arg1: i32) -> i32 {
    %c0_i32 = arith.constant 0 : i32
    %c0_i32_0 = arith.constant 0 : i32
    return %c0_i32 : i32
  }
  func.func @transform_8(%arg0: i32, %arg1: i32) -> i32 {
    %c0_i32 = arith.constant 0 : i32
    %c0_i32_0 = arith.constant 0 : i32
    return %c0_i32 : i32
  }
  func.func @transform_9(%arg0: i32, %arg1: i32) -> (i32, i32, i32) {
    %c0_i32 = arith.constant 0 : i32
    %c0_i32_0 = arith.constant 0 : i32
    return %arg0, %arg1, %c0_i32 : i32, i32, i32
  }
  func.func @transform_10(%arg0: i32, %arg1: i32) -> (i32, i32, i32) {
    %c0_i32 = arith.constant 0 : i32
    %c0_i32_0 = arith.constant 0 : i32
    return %arg0, %arg1, %c0_i32 : i32, i32, i32
  }
}

module attributes {stable_mosaic.version = 14 : i64} {
  func.func @_final_body(%arg0: i32, %arg1: i32, %arg2: memref<1x512x384xf32, #tpu.memory_space<vmem>>, %arg3: memref<1x512x384xf32, #tpu.memory_space<vmem>>, %arg4: memref<1x512x128xf32, #tpu.memory_space<vmem>>, %arg5: memref<1x512x128xf32, #tpu.memory_space<vmem>>, %arg6: memref<128x256xf32, #tpu.memory_space<vmem>>, %arg7: memref<128xf32, #tpu.memory_space<vmem>>, %arg8: memref<1x512x128xf32, #tpu.memory_space<vmem>>) attributes {dimension_semantics = [#tpu.dimension_semantics<arbitrary>, #tpu.dimension_semantics<arbitrary>], iteration_bounds = array<i64: 2, 8>, scalar_prefetch = 0 : i64, scratch_operands = 0 : i64, tpu.core_type = #tpu.core_type<tc>, window_params = [{transform_indices = @transform_0, window_bounds = array<i64: 1, 512, 384>}, {transform_indices = @transform_1, window_bounds = array<i64: 1, 512, 384>}, {transform_indices = @transform_2, window_bounds = array<i64: 1, 512, 128>}, {transform_indices = @transform_3, window_bounds = array<i64: 1, 512, 128>}, {pipeline_mode = #tpu.pipeline_mode<synchronous>, transform_indices = @transform_4, window_bounds = array<i64: 128, 256>}, {pipeline_mode = #tpu.pipeline_mode<synchronous>, transform_indices = @transform_5, window_bounds = array<i64: 128>}, {transform_indices = @transform_6, window_bounds = array<i64: 1, 512, 128>}]} {
    %get3A = arith.constant 0 : index
    %get3A_0 = arith.constant 0 : index
    %get3A_1 = arith.constant 0 : index
    %get3A_2 = vector.load %arg2[%get3A, %get3A_0, %get3A_1] : memref<1x512x384xf32, #tpu.memory_space<vmem>>, vector<1x512x384xf32>
    %get3A_3 = vector.shape_cast %get3A_2 : vector<1x512x384xf32> to vector<512x384xf32>
    %get3A_4 = arith.constant 0 : index
    %get3A_5 = arith.constant 0 : index
    %get3A_6 = arith.constant 0 : index
    %get3A_7 = vector.load %arg3[%get3A_4, %get3A_5, %get3A_6] : memref<1x512x384xf32, #tpu.memory_space<vmem>>, vector<1x512x384xf32>
    %get3A_8 = vector.shape_cast %get3A_7 : vector<1x512x384xf32> to vector<512x384xf32>
    %add3A = arith.addf %get3A_3, %get3A_8 : vector<512x384xf32>
    %max3A = arith.constant 0.000000e+00 : f32
    %max3A_9 = vector.broadcast %max3A : f32 to vector<512x384xf32>
    %max3A_10 = arith.maximumf %add3A, %max3A_9 : vector<512x384xf32>
    %slice3A = vector.extract_strided_slice %max3A_10 {offsets = [0, 0], sizes = [512, 128], strides = [1, 1]} : vector<512x384xf32> to vector<512x128xf32>
    %logistic3A = arith.negf %slice3A : vector<512x128xf32>
    %logistic3A_11 = math.exp %logistic3A : vector<512x128xf32>
    %logistic3A_12 = arith.constant 1.000000e+00 : f32
    %logistic3A_13 = vector.broadcast %logistic3A_12 : f32 to vector<512x128xf32>
    %logistic3A_14 = arith.addf %logistic3A_13, %logistic3A_11 : vector<512x128xf32>
    %logistic3A_15 = arith.divf %logistic3A_13, %logistic3A_14 : vector<512x128xf32>
    %slice3A_16 = vector.extract_strided_slice %max3A_10 {offsets = [0, 128], sizes = [512, 128], strides = [1, 1]} : vector<512x384xf32> to vector<512x128xf32>
    %logistic3A_17 = arith.negf %slice3A_16 : vector<512x128xf32>
    %logistic3A_18 = math.exp %logistic3A_17 : vector<512x128xf32>
    %logistic3A_19 = arith.constant 1.000000e+00 : f32
    %logistic3A_20 = vector.broadcast %logistic3A_19 : f32 to vector<512x128xf32>
    %logistic3A_21 = arith.addf %logistic3A_20, %logistic3A_18 : vector<512x128xf32>
    %logistic3A_22 = arith.divf %logistic3A_20, %logistic3A_21 : vector<512x128xf32>
    %slice3A_23 = vector.extract_strided_slice %max3A_10 {offsets = [0, 256], sizes = [512, 128], strides = [1, 1]} : vector<512x384xf32> to vector<512x128xf32>
    %get3A_24 = arith.constant 0 : index
    %get3A_25 = arith.constant 0 : index
    %get3A_26 = arith.constant 0 : index
    %get3A_27 = vector.load %arg4[%get3A_24, %get3A_25, %get3A_26] : memref<1x512x128xf32, #tpu.memory_space<vmem>>, vector<1x512x128xf32>
    %get3A_28 = vector.shape_cast %get3A_27 : vector<1x512x128xf32> to vector<512x128xf32>
    %get3A_29 = arith.constant 0 : index
    %get3A_30 = arith.constant 0 : index
    %get3A_31 = arith.constant 0 : index
    %get3A_32 = vector.load %arg5[%get3A_29, %get3A_30, %get3A_31] : memref<1x512x128xf32, #tpu.memory_space<vmem>>, vector<1x512x128xf32>
    %get3A_33 = vector.shape_cast %get3A_32 : vector<1x512x128xf32> to vector<512x128xf32>
    %get3A_34 = arith.constant 0 : index
    %get3A_35 = arith.constant 0 : index
    %get3A_36 = vector.load %arg6[%get3A_34, %get3A_35] : memref<128x256xf32, #tpu.memory_space<vmem>>, vector<128x256xf32>
    %slice3A_37 = vector.extract_strided_slice %get3A_36 {offsets = [0, 0], sizes = [128, 128], strides = [1, 1]} : vector<128x256xf32> to vector<128x128xf32>
    %dot_general3A = arith.constant dense<0.000000e+00> : vector<512x128xf32>
    %dot_general3A_38 = tpu.matmul %get3A_28, %slice3A_37, %dot_general3A {dimension_numbers = #tpu.dot_dimension_numbers<[1], [1], [0], [0], [0, 0, 1, 0], [], []>, transpose_lhs_hint = false} : vector<512x128xf32>, vector<128x128xf32>, vector<512x128xf32> -> vector<512x128xf32>
    %mul3A = arith.mulf %logistic3A_22, %get3A_33 : vector<512x128xf32>
    %slice3A_39 = vector.extract_strided_slice %get3A_36 {offsets = [0, 128], sizes = [128, 128], strides = [1, 1]} : vector<128x256xf32> to vector<128x128xf32>
    %dot_general3A_40 = arith.constant dense<0.000000e+00> : vector<512x128xf32>
    %dot_general3A_41 = tpu.matmul %mul3A, %slice3A_39, %dot_general3A_40 {dimension_numbers = #tpu.dot_dimension_numbers<[1], [1], [0], [0], [0, 0, 1, 0], [], []>, transpose_lhs_hint = false} : vector<512x128xf32>, vector<128x128xf32>, vector<512x128xf32> -> vector<512x128xf32>
    %add3A_42 = arith.addf %dot_general3A_38, %dot_general3A_41 : vector<512x128xf32>
    %get3A_43 = arith.constant 0 : index
    %get3A_44 = vector.load %arg7[%get3A_43] : memref<128xf32, #tpu.memory_space<vmem>>, vector<128xf32>
    %reshape3A = vector.shape_cast %get3A_44 : vector<128xf32> to vector<1x128xf32>
    %add3A_45 = vector.broadcast %reshape3A : vector<1x128xf32> to vector<512x128xf32>
    %add3A_46 = arith.addf %add3A_42, %add3A_45 : vector<512x128xf32>
    %tanh3A = math.tanh %add3A_46 : vector<512x128xf32>
    %mul3A_47 = arith.mulf %logistic3A_15, %slice3A_23 : vector<512x128xf32>
    %sub3A = arith.constant 1.000000e+00 : f32
    %sub3A_48 = vector.broadcast %sub3A : f32 to vector<512x128xf32>
    %sub3A_49 = arith.subf %sub3A_48, %logistic3A_15 : vector<512x128xf32>
    %mul3A_50 = arith.mulf %sub3A_49, %tanh3A : vector<512x128xf32>
    %add3A_51 = arith.addf %mul3A_47, %mul3A_50 : vector<512x128xf32>
    %swap3A = arith.constant 0 : index
    %swap3A_52 = arith.constant 0 : index
    %swap3A_53 = arith.constant 0 : index
    %swap3A_54 = vector.load %arg8[%swap3A, %swap3A_52, %swap3A_53] : memref<1x512x128xf32, #tpu.memory_space<vmem>>, vector<1x512x128xf32>
    %swap3A_55 = vector.shape_cast %swap3A_54 : vector<1x512x128xf32> to vector<512x128xf32>
    %swap3A_56 = vector.shape_cast %add3A_51 : vector<512x128xf32> to vector<1x512x128xf32>
    tpu.vector_store %arg8[%swap3A, %swap3A_52, %swap3A_53], %swap3A_56 {strides = array<i32>} : memref<1x512x128xf32, #tpu.memory_space<vmem>>, vector<1x512x128xf32>,
    return
  }
  func.func @transform_0(%arg0: i32, %arg1: i32) -> (i32, i32, i32) {
    %c0_i32 = arith.constant 0 : i32
    %c0_i32_0 = arith.constant 0 : i32
    return %arg0, %arg1, %c0_i32 : i32, i32, i32
  }
  func.func @transform_1(%arg0: i32, %arg1: i32) -> (i32, i32, i32) {
    %c0_i32 = arith.constant 0 : i32
    %c0_i32_0 = arith.constant 0 : i32
    return %arg0, %arg1, %c0_i32 : i32, i32, i32
  }
  func.func @transform_2(%arg0: i32, %arg1: i32) -> (i32, i32, i32) {
    %c0_i32 = arith.constant 0 : i32
    %c0_i32_0 = arith.constant 0 : i32
    return %arg0, %arg1, %c0_i32 : i32, i32, i32
  }
  func.func @transform_3(%arg0: i32, %arg1: i32) -> (i32, i32, i32) {
    %c0_i32 = arith.constant 0 : i32
    %c0_i32_0 = arith.constant 0 : i32
    return %arg0, %arg1, %c0_i32 : i32, i32, i32
  }
  func.func @transform_4(%arg0: i32, %arg1: i32) -> (i32, i32) {
    %c0_i32 = arith.constant 0 : i32
    %c0_i32_0 = arith.constant 0 : i32
    %c0_i32_1 = arith.constant 0 : i32
    return %c0_i32, %c0_i32_0 : i32, i32
  }
  func.func @transform_5(%arg0: i32, %arg1: i32) -> i32 {
    %c0_i32 = arith.constant 0 : i32
    %c0_i32_0 = arith.constant 0 : i32
    return %c0_i32 : i32
  }
  func.func @transform_6(%arg0: i32, %arg1: i32) -> (i32, i32, i32) {
    %c0_i32 = arith.constant 0 : i32
    %c0_i32_0 = arith.constant 0 : i32
    return %arg0, %arg1, %c0_i32 : i32, i32, i32
  }
}

</mosaic_0001>

<sc_bundles>
// kernel: kernel.6.cloned.1.call-start
scs
__scs_entry_jumppad:
0x0: {  	(pc) =	sbr.rel $0x88, $3  }
0x1: {  	(tag) =	ssettag $0x0;
	lr =	simm.s32 $0x1  }
0x2: {  	[smem:$0x3F96] =	sst lr;
	_ =	strace $0xD0000000  }
0x3: {  	_ = 	snop  }
0x4: {  	_ = 	snop  }
0x5: {  	_ = 	snop  }
0x6: {  	_ = 	snop  }
0x7: {  	_ = 	snop  }
__scs_overlays_trampoline_lowered:
0x8: {  	[smem:$0x3FA5] =	sst s0  }
0x9: {  	[smem:$0x3FA6] =	sst s1  }
0xa: {  	[smem:$0x3FA7] =	sst s2  }
0xb: {  	[smem:$0x3FA8] =	sst s3  }
0xc: {  	[smem:$0x3FA9] =	sst s4  }
0xd: {  	[smem:$0x3FAA] =	sst s5  }
0xe: {  	[smem:$0x3FAB] =	sst s6  }
0xf: {  	[smem:$0x3FAC] =	sst s7  }
0x10: {  	[smem:$0x3FAD] =	sst s8  }
0x11: {  	[smem:$0x3FAE] =	sst s9;
	s0 =	simm.s32 @!p0 $0x0  }
0x12: {  	s1 =	sld [smem:$0x3F94];
	s0 =	simm.s32 @p0 $0x1  }
0x13: {  	[smem:$0x3FAF] =	sst s0;
	s0 =	simm.s32 @!p1 $0x0  }
0x14: {  	s2 =	sld [smem:$0x3F93];
	s0 =	simm.s32 @p1 $0x1  }
0x15: {  	[smem:$0x3FB0] =	sst s0;
	s0 =	simm.s32 @!p2 $0x0  }
0x16: {  	s3 =	sld [smem:$0x3FDB];
	s0 =	simm.s32 @p2 $0x1  }
0x17: {  	s4 =	simm.s32 $0x1BF5;
	[smem:$0x3FB2] =	sst s0  }
0x18: {  	s0 =	sld [smem:$0x3F95];
	_ =	swait.ge [sflag:s4], $0x0  }
0x19: {  	s7 =	sld [smem:$0x3F96]  }
0x1a: {  	s8 =	sadd.s32 $0xFFFFE003, lr  }
0x1b: {  	s9 =	sadd.s32 $0xFFFFFEF7, lr;
	s5 =	simm.s32 $0xFFFFFFFF;
	p2 =	slt.u32 s8, $0xFFFFF086  }
0x1c: {  	p1 =	slt.u32 s9, $0xF7A;
	s5 =	simm.s32 @!p2 $0x0  }
0x1d: {  	s5 =	simm.s32 @p1 $0x1;
	p0 =	seq.s32 s7, s2  }
0x1e: {  	s7 =	smul.u32 @!p0 $0xF7A, s2;
	p2 =	seq.s32 @!p0 s5, $0x0  }
0x1f: {  	s9 =	smul.u32 $0xF7A, s1;
	s8 =	simm.s32 @!p0 $0x1BF5;
	p2 =	por !p2, p0  }
0x20: {  	[sflag:s8] =	ssyncset.s32 @!p0 $0xFFFFF086;
	s6 =	sadd.s32 @!p0 s3, s7;
	s7 =	simm.s32 @!p0 $0x108  }
0x21: {  	s3 =	sadd.s32 s3, s9;
	s6 =	sadd.s32 @!p0 $0x88, s6;
	s7 =	simm.s32 @p2 $0x1082  }
0x22: {  	[simem:s7], [sflag:s8] =	dma.local @!p0 [hbm:s6], $0xF7A  }
0x23: {  	s9 =	sor.u32 $0xD0000000, s2;
	s6 =	simm.s32 $0x108;
	_ =	swait.ge @!p0 [sflag:s8], $0x0  }
0x24: {  	s3 =	sadd.s32 $0x88, s3;
	s6 =	simm.s32 @!p1 $0x1082;
	[sflag:s4] =	ssyncset.s32 $0xFFFFF086  }
0x25: {  	[simem:s6], [sflag:s4] =	dma.local [hbm:s3], $0xF7A  }
0x26: {  	[smem:$0x3F96] =	sst s1;
	(tag) =	ssettag s2;
	_ =	strace s9  }
0x27: {  	s1 =	sld [smem:$0x3FA6]  }
0x28: {  	s2 =	sld [smem:$0x3FA7]  }
0x29: {  	s4 =	sld [smem:$0x3FA9]  }
0x2a: {  	p0 =	seq.s32 s5, $0x0;
	s5 =	sld [smem:$0x3FAA]  }
0x2b: {  	s6 =	sld [smem:$0x3FAB]  }
0x2c: {  	s7 =	sld [smem:$0x3FAC]  }
0x2d: {  	s3 =	simm.s32 $0x108;
	s8 =	sld [smem:$0x3FAD]  }
0x2e: {  	s3 =	simm.s32 @!p0 $0x1082;
	s9 =	sld [smem:$0x3FAE]  }
0x2f: {  	lr =	sadd.s32 s0, s3;
	s0 =	sld [smem:$0x3FA5]  }
0x30: {  	s3 =	sld [smem:$0x3FA8]  }
0x31: {  	[smem:$0x3FB1] =	sst s10  }
0x32: {  	s10 =	sld [smem:$0x3FAF];
	_ =	sdelay $0x3  }
0x33: {  	p0 =	seq.s32 s10, $0x1;
	s10 =	sld [smem:$0x3FB1];
	_ =	sdelay $0x3  }
0x34: {  	[smem:$0x3FB1] =	sst s10  }
0x35: {  	s10 =	sld [smem:$0x3FB0];
	_ =	sdelay $0x3  }
0x36: {  	p1 =	seq.s32 s10, $0x1;
	s10 =	sld [smem:$0x3FB1];
	_ =	sdelay $0x3  }
0x37: {  	[smem:$0x3FB1] =	sst s10  }
0x38: {  	s10 =	sld [smem:$0x3FB2]  }
0x39: {  	_ = 	snop;
	(pc) =	sbr.ind lr, $3  }
0x3a: {  	_ = 	snop  }
0x3b: {  	_ = 	snop  }
0x3c: {  	p2 =	seq.s32 s10, $0x1;
	s10 =	sld [smem:$0x3FB1]  }
0x3d: {  	_ =	shalt  }
0x3e: {  	_ =	shalt  }
0x3f: {  	_ =	shalt  }
0x40: {  	_ =	shalt  }
0x41: {  	_ =	shalt  }
0x42: {  	_ =	shalt  }
0x43: {  	_ =	shalt  }
0x44: {  	_ =	shalt  }
0x45: {  	_ =	shalt  }
0x46: {  	_ =	shalt  }
0x47: {  	_ =	shalt  }
0x48: {  	_ =	shalt  }
0x49: {  	_ =	shalt  }
0x4a: {  	_ =	shalt  }
0x4b: {  	_ =	shalt  }
0x4c: {  	_ =	shalt  }
0x4d: {  	_ =	shalt  }
0x4e: {  	_ =	shalt  }
0x4f: {  	_ =	shalt  }
0x50: {  	_ =	shalt  }
0x51: {  	_ =	shalt  }
0x52: {  	_ =	shalt  }
0x53: {  	_ =	shalt  }
0x54: {  	_ =	shalt  }
0x55: {  	_ =	shalt  }
0x56: {  	_ =	shalt  }
0x57: {  	_ =	shalt  }
0x58: {  	_ =	shalt  }
0x59: {  	_ =	shalt  }
0x5a: {  	_ =	shalt  }
0x5b: {  	_ =	shalt  }
0x5c: {  	_ =	shalt  }
0x5d: {  	_ =	shalt  }
0x5e: {  	_ =	shalt  }
0x5f: {  	_ =	shalt  }
0x60: {  	_ =	shalt  }
0x61: {  	_ =	shalt  }
0x62: {  	_ =	shalt  }
0x63: {  	_ =	shalt  }
0x64: {  	_ =	shalt  }
0x65: {  	_ =	shalt  }
0x66: {  	_ =	shalt  }
0x67: {  	_ =	shalt  }
0x68: {  	_ =	shalt  }
0x69: {  	_ =	shalt  }
0x6a: {  	_ =	shalt  }
0x6b: {  	_ =	shalt  }
0x6c: {  	_ =	shalt  }
0x6d: {  	_ =	shalt  }
0x6e: {  	_ =	shalt  }
0x6f: {  	_ =	shalt  }
0x70: {  	_ =	shalt  }
0x71: {  	_ =	shalt  }
0x72: {  	_ =	shalt  }
0x73: {  	_ =	shalt  }
0x74: {  	_ =	shalt  }
0x75: {  	_ =	shalt  }
0x76: {  	_ =	shalt  }
0x77: {  	_ =	shalt  }
0x78: {  	_ =	shalt  }
0x79: {  	_ =	shalt  }
0x7a: {  	_ =	shalt  }
0x7b: {  	_ =	shalt  }
0x7c: {  	_ =	shalt  }
0x7d: {  	_ =	shalt  }
0x7e: {  	_ =	shalt  }
0x7f: {  	_ =	shalt  }
0x80: {  	_ =	shalt  }
0x81: {  	_ =	shalt  }
0x82: {  	_ =	shalt  }
0x83: {  	_ =	shalt  }
0x84: {  	_ =	shalt  }
0x85: {  	_ =	shalt  }
0x86: {  	_ =	shalt  }
0x87: {  	_ =	shalt  }
.Lfunc_end0:
.L_simem_size_0:
called_computation_lowered:
.L_overlay_start_0:
0x88: {  	s2 =	sld [smem:$0x3FD9]  }
0x89: {  	s3 =	sld [smem:$0x3FFE];
	_ =	sdelay $0x1  }
0x8a: {  	s1 =	srdreg.scid  }
0x8b: {  	s0 =	sand.u32 $0x1, s1  }
0x8c: {  	s14 =	sshll.u32 s0, $0xA;
	s2 =	sadd.s32 s3, s2  }
0x8d: {  	s2 =	sadd.s32 s2, s14  }
0x8e: {  	[smem:$0x3FBD] =	sst s2  }
0x8f: {  	_ = 	snop  }
0x90: {  	s2 =	sld [smem:$0x3FD0];
	_ =	sdelay $0x2  }
0x91: {  	s15 =	simm.s32 $0xA;
	s4 =	simm.s32 $0x10  }
0x92: {  	[smem:s4], [sflag:s15] =	dma.local [hbm:s2], $0x1  }
0x93: {  	_ =	swait.eq [sflag:s15], $0x1  }
0x94: {  	[sflag:s15] =	ssyncset.done $0x0  }
0x95: {  	[sflag:s15] =	ssyncadd.s32 $0xFFFFFFFF  }
0x96: {  	s16 =	sld [smem:$0x11];
	(tm) =	ssettm $0x1  }
0x97: {  	s17 =	sld [smem:$0x3FFB];
	_ =	sdelay $0x3  }
0x98: {  	_ =	strace s17  }
0x99: {  	s3 =	sld [smem:$0x3FFC];
	_ =	sdelay $0x3  }
0x9a: {  	_ =	strace s3  }
0x9b: {  	s3 =	sld [smem:$0x3FFD];
	_ =	sdelay $0x3  }
0x9c: {  	_ =	strace s3  }
0x9d: {  	_ =	strace $0x8FFFFFFF  }
0x9e: {  	s18 =	sld [smem:$0x3FDB];
	_ =	sdelay $0x1  }
0x9f: {  	s19 =	simm.s32 $_scs_section_size  }
0xa0: {  	s5 =	simm.s32 $_size__tile_overlayer_lowered;
	s6 =	simm.s32 $_tile_overlayer_lowered  }
0xa1: {  	s22 =	simm.s32 $0x1BFF;
	s21 =	sshll.u32 s6, $0x1;
	s3 =	sadd.s32 s19, s18  }
0xa2: {  	s7 =	simm.s32 $0x0;
	s20 =	sshll.u32 s5, $0x1;
	s5 =	sadd.s32 s21, s3  }
0xa3: {  	[timem:s7], [sflag:s22] =	dma.local [hbm:s5], s20  }
0xa4: {  	_ =	swait.ge [sflag:s22], s20  }
0xa5: {  	s4 =	ssub.s32 $0x0, s20;
	[sflag:s22] =	ssyncset.done $0x0  }
0xa6: {  	[sflag:s22] =	ssyncadd.s32 s4;
	_ =	sdelay $0x1  }
0xa7: {  	s23 =	simm.s32 $0x1B8B  }
0xa8: {  	_ =	swait.ge [sflag:s23], $0x1  }
0xa9: {  	[sflag:s23] =	ssyncset.done $0x0  }
0xaa: {  	s25 =	simm.s32 $0x1B8E;
	s24 =	sld [smem:$0x3FFE];
	[sflag:s23] =	ssyncadd.s32 $0xFFFFFFFF  }
0xab: {  	s26 =	simm.s32 $execute0_lowered;
	[smem:$0x3FD2] =	sst s25  }
0xac: {  	s5 =	sshll.u32 s26, $0x1;
	_ =	strace $0x80000046;
	[dreg:$0x1] =	wrdreg $0xFFFFFFFF  }
0xad: {  	s28 =	simm.s32 $_size_execute0_lowered;
	s3 =	sadd.s32 s3, s5;
	[dreg:$0x0] =	wrdreg $0x0  }
0xae: {  	s5 =	sshll.u32 s28, $0x1;
	[dreg:$0x2] =	wrdreg s3  }
0xaf: {  	[dreg:$0x3] =	wrdreg s5  }
0xb0: {  	[dreg:$0x4] =	wrdreg $0xC0  }
0xb1: {  	_ =	task [dreg:s7], $0x5FFFF  }
0xb2: {  	[dreg:$0x1] =	wrdreg $0xFFFFFFFF  }
0xb3: {  	[dreg:$0x0] =	wrdreg $0x60  }
0xb4: {  	[dreg:$0x2] =	wrdreg s24  }
0xb5: {  	[dreg:$0x3] =	wrdreg s16  }
0xb6: {  	[dreg:$0x4] =	wrdreg $0x9  }
0xb7: {  	_ =	task.clear_ibuf [dreg:s7], $0x5FFFF;
	_ =	strace $0x90000046  }
0xb8: {  	s29 =	simm.s32 $0x9;
	_ =	strace $0x80000048  }
0xb9: {  	_ =	swait.ge [sflag:s29], $0x1  }
0xba: {  	[sflag:s29] =	ssyncadd.s32 $0xFFFFFFFF  }
0xbb: {  	_ =	strace $0x90000048  }
0xbc: {  	_ =	sfence  }
0xbd: {  	s30 =	sld [smem:$0x0];
	_ =	sdelay $0x2  }
0xbe: {  	s31 =	sshll.u32 s1, $0xD;
	s1 =	sshrl.u32 s1, $0x2  }
0xbf: {  	s3 =	sand.u32 $0x4000, s31;
	s1 =	sadd.s32 s1, s30  }
0xc0: {  	s0 =	sor.u32 s3, s0;
	s1 =	sshll.u32 s1, $0x11  }
0xc1: {  	s0 =	sor.u32 s1, s0  }
0xc2: {  	s0 =	sadd.s32 $0x8F2B, s0  }
0xc3: {  	[sflag:s0] =	ssyncadd.remote.s32 $0x1  }
0xc4: {  	_ =	sfence.sel $0xFFFF  }
0xc5: {  	[dreg:$0x0] =	wrdreg $0xFFFFFFFF;
	(pc) =	sbr.abs _section_cstart, $3  }
0xc6: {  	[dreg:$0x1] =	wrdreg $0xFFFFFFFF  }
0xc7: {  	_ =	task.clear_ibuf [dreg:s7], $0x2FFFF;
	_ =	strace $0x9FFFFFFF  }
0xc8: {  	(tm) =	ssettm $0x7FFFFFFF  }
0xc9: {  	_ =	shalt  }
tec
execute0_lowered:
.L_overlay_start_1:
0x0: {  	(tag) =	ssettag $0x1  }
0x1: {  	s0 =	rddreg [dreg:$0x0]  }
0x2: {  	s1 =	rddreg [dreg:$0x1];
	s2 =	simm.s32 $0x0;
	s3 =	srdreg.scid  }
0x3: {  	s5 =	stileid.u32;
	s16 =	simm.s32 $0xA400;
	s17 =	simm.s32 $0xAC00  }
0x4: {  	s18 =	simm.s32 $0xB000;
	s19 =	simm.s32 $0xB800;
	s20 =	simm.s32 $0xBC00  }
0x5: {  	s21 =	simm.s32 $0xC400;
	s22 =	simm.s32 $0xC800;
	s23 =	simm.s32 $0xD000  }
0x6: {  	s24 =	simm.s32 $0xD400;
	s28 =	simm.s32 $0x80;
	s29 =	simm.s32 $0x400  }
0x7: {  	s30 =	simm.s32 $0xE000;
	s31 =	simm.s32 $0x2;
	[smem:$0x7FF] =	sst s2  }
0x8: {  	s4 =	sand.u32 $0x1, s3;
	s5 =	sshll.u32 s5, $0x9;
	s3 =	sadd.s32 $0x1E00, s0  }
0x9: {  	_ =	strace $0x80000047;
	s6 =	sshll.u32 s4, $0x8;
	s7 =	ssub.s32 $0x2, s4  }
0xa: {  	s4 =	sor.u32 s6, s5;
	s5 =	sadd.s32 $0xC1E00, s0;
	s25 =	sshrl.u32 s7, $0x1  }
0xb: {  	s8 =	sshll.u32 s4, $0x4;
	s6 =	ssub.s32 s7, s25;
	s7 =	sadd.s32 $0x1F00, s0  }
0xc: {  	v2 =	vlaneseq.u32;
	s25 =	simm.s32 $0xDC00;
	s0 =	simm.s32 $0x4;
	s1 =	sadd.s32 s1, s8  }
0xd: {  	vm0 =	vmmov $0xffff;
	vm1 =	vmmov $0xff;
	v1 =	vshrl.u32 v2, $0x3;
	s26 =	smax.u32 s6, $0x1;
	s8 =	simm.s32 $0x0;
	[dreg:$0x3] =	wrdreg s1  }
0xe: {  	v0 =	vand.u32 $0x7, v2;
	v2 =	vor.u32 $0x8, v2;
	v1 =	vmul.u32 $0x8, v1;
	[dreg:$0x4] =	wrdreg s26;
	s26 =	simm.s32 $0x1;
	s1 =	simm.s32 $0xE180  }
.LBB2_1:
0xf: {  	[dreg:$0x5] =	wrdreg s8  }
0x10: {  	s6 =	rddreg [dreg:$0x3];
	s9 =	simm.s32 $0x5  }
0x11: {  	[tilespmem:s2], [sflag:$0x5] =	stream.linear.gather [hbm4b:s6+s2], $0x8000, $0x38;
	[tilespmem:$0xE300] =	vst v63  }
0x12: {  	_ =	swait.ge [sflag:s9], $0x8000  }
0x13: {  	[sflag:s9] =	ssyncset.done $0x0  }
0x14: {  	[sflag:s9] =	ssyncadd.s32 $0xFFFF8000  }
0x15: {  	v3 =	vld [tilespmem:$0x0];
	_ =	sdelay $0x4  }
0x16: {  	v4 =	vshrl.u32 v3, $0x3  }
0x17: {  	v4 =	vmul.u32 $0x18, v4  }
0x18: {  	v3 =	vand.u32 $0x7, v3  }
0x19: {  	v3 =	vor.u32 v3, v4  }
0x1a: {  	v4 =	vperm.xlane v3, v0;
	_ =	sdelay $0x1  }
0x1b: {  	v4 =	vadd.s32 v1, v4;
	_ =	sdelay $0x1  }
0x1c: {  	v3 =	vperm.xlane v3, v2;
	_ =	sdelay $0x1  }
0x1d: {  	s10 =	simm.s32 $0x8000;
	v3 =	vadd.s32 v1, v3  }
0x1e: {  	[tilespmem:s10], [sflag:$0x1] =	stream.indirect_vreg.gather [hbm4b:s3+s2], $0x80, v4, vm0, $0xb8;
	[tilespmem:$0xE300] =	vst v63  }
0x1f: {  	s11 =	simm.s32 $0x8800  }
0x20: {  	[tilespmem:s11], [sflag:$0x1] =	stream.indirect_vreg.gather [hbm4b:s7+s2], $0x80, v4, vm1, $0xb8;
	[tilespmem:$0xE300] =	vst v63  }
0x21: {  	s12 =	simm.s32 $0x8C00  }
0x22: {  	[tilespmem:s12], [sflag:$0x1] =	stream.indirect_vreg.gather [hbm4b:s3+s2], $0x80, v3, vm0, $0xb8;
	[tilespmem:$0xE300] =	vst v63  }
0x23: {  	s13 =	simm.s32 $0x9400  }
0x24: {  	[tilespmem:s13], [sflag:$0x1] =	stream.indirect_vreg.gather [hbm4b:s7+s2], $0x80, v3, vm1, $0xb8;
	[tilespmem:$0xE300] =	vst v63  }
0x25: {  	v3 =	vld [tilespmem:$0x10];
	_ =	sdelay $0x4  }
0x26: {  	v63 =	vshrl.u32 v3, $0x3  }
0x27: {  	v4 =	vmul.u32 $0x18, v63  }
0x28: {  	v3 =	vand.u32 $0x7, v3  }
0x29: {  	v3 =	vor.u32 v3, v4  }
0x2a: {  	v4 =	vperm.xlane v3, v0;
	_ =	sdelay $0x1  }
0x2b: {  	v4 =	vadd.s32 v1, v4;
	_ =	sdelay $0x1  }
0x2c: {  	v3 =	vperm.xlane v3, v2;
	_ =	sdelay $0x1  }
0x2d: {  	s14 =	simm.s32 $0x9800;
	v3 =	vadd.s32 v1, v3  }
0x2e: {  	[tilespmem:s14], [sflag:$0x1] =	stream.indirect_vreg.gather [hbm4b:s3+s2], $0x80, v4, vm0, $0xb8;
	[tilespmem:$0xE300] =	vst v63  }
0x2f: {  	s15 =	simm.s32 $0xA000  }
0x30: {  	[tilespmem:s15], [sflag:$0x1] =	stream.indirect_vreg.gather [hbm4b:s7+s2], $0x80, v4, vm1, $0xb8;
	[tilespmem:$0xE300] =	vst v63  }
0x31: {  	_ = 	snop  }
0x32: {  	[tilespmem:s16], [sflag:$0x1] =	stream.indirect_vreg.gather [hbm4b:s3+s2], $0x80, v3, vm0, $0xb8;
	[tilespmem:$0xE300] =	vst v63  }
0x33: {  	s9 =	simm.s32 $0x0  }
0x34: {  	[tilespmem:s17], [sflag:$0x1] =	stream.indirect_vreg.gather [hbm4b:s7+s2], $0x80, v3, vm1, $0xb8;
	[tilespmem:$0xE300] =	vst v63  }
.LBB2_2:
0x35: {  	s8 =	sshll.u32 s9, $0x8  }
0x36: {  	s6 =	sand.u32 $0x3FFFFF00, s8  }
0x37: {  	v3 =	vld [tilespmem:s6+$0x80];
	_ =	sdelay $0x4  }
0x38: {  	v4 =	vshrl.u32 v3, $0x3  }
0x39: {  	v4 =	vmul.u32 $0x18, v4  }
0x3a: {  	v3 =	vand.u32 $0x7, v3  }
0x3b: {  	v3 =	vor.u32 v3, v4  }
0x3c: {  	v4 =	vperm.xlane v3, v0;
	_ =	sdelay $0x1  }
0x3d: {  	v4 =	vadd.s32 v1, v4;
	_ =	sdelay $0x1  }
0x3e: {  	v3 =	vperm.xlane v3, v2;
	_ =	sdelay $0x1  }
0x3f: {  	v3 =	vadd.s32 v1, v3  }
0x40: {  	[tilespmem:s18], [sflag:$0x2] =	stream.indirect_vreg.gather [hbm4b:s3+s2], $0x80, v4, vm0, $0xb8;
	[tilespmem:$0xE300] =	vst v63  }
0x41: {  	_ = 	snop  }
0x42: {  	[tilespmem:s19], [sflag:$0x2] =	stream.indirect_vreg.gather [hbm4b:s7+s2], $0x80, v4, vm1, $0xb8;
	[tilespmem:$0xE300] =	vst v63  }
0x43: {  	_ = 	snop  }
0x44: {  	[tilespmem:s20], [sflag:$0x2] =	stream.indirect_vreg.gather [hbm4b:s3+s2], $0x80, v3, vm0, $0xb8;
	[tilespmem:$0xE300] =	vst v63  }
0x45: {  	_ = 	snop  }
0x46: {  	[tilespmem:s21], [sflag:$0x2] =	stream.indirect_vreg.gather [hbm4b:s7+s2], $0x80, v3, vm1, $0xb8;
	[tilespmem:$0xE300] =	vst v63  }
0x47: {  	v3 =	vld [tilespmem:s6+$0x90];
	_ =	sdelay $0x4  }
0x48: {  	v36 =	vshrl.u32 v3, $0x3  }
0x49: {  	v4 =	vmul.u32 $0x18, v36  }
0x4a: {  	v3 =	vand.u32 $0x7, v3  }
0x4b: {  	v3 =	vor.u32 v3, v4  }
0x4c: {  	v4 =	vperm.xlane v3, v0;
	_ =	sdelay $0x1  }
0x4d: {  	v4 =	vadd.s32 v1, v4;
	_ =	sdelay $0x1  }
0x4e: {  	v3 =	vperm.xlane v3, v2;
	_ =	sdelay $0x1  }
0x4f: {  	v3 =	vadd.s32 v1, v3  }
0x50: {  	[tilespmem:s22], [sflag:$0x2] =	stream.indirect_vreg.gather [hbm4b:s3+s2], $0x80, v4, vm0, $0xb8;
	[tilespmem:$0xE300] =	vst v63  }
0x51: {  	_ = 	snop  }
0x52: {  	[tilespmem:s23], [sflag:$0x2] =	stream.indirect_vreg.gather [hbm4b:s7+s2], $0x80, v4, vm1, $0xb8;
	[tilespmem:$0xE300] =	vst v63  }
0x53: {  	_ = 	snop  }
0x54: {  	[tilespmem:s24], [sflag:$0x2] =	stream.indirect_vreg.gather [hbm4b:s3+s2], $0x80, v3, vm0, $0xb8;
	[tilespmem:$0xE300] =	vst v63  }
0x55: {  	_ = 	snop  }
0x56: {  	[tilespmem:s25], [sflag:$0x2] =	stream.indirect_vreg.gather [hbm4b:s7+s2], $0x80, v3, vm1, $0xb8;
	[tilespmem:$0xE300] =	vst v63  }
0x57: {  	_ =	swait.ge [sflag:s26], $0x3000  }
0x58: {  	p0 =	seq.s32 s9, $0x0;
	[sflag:s26] =	ssyncset.done $0x0  }
0x59: {  	s10 =	simm.s32 @!p0 $0x3;
	[sflag:s26] =	ssyncadd.s32 $0xFFFFD000  }
0x5a: {  	s11 =	simm.s32 $0x0;
	_ =	swait.ge @!p0 [sflag:s10], $0x180  }
0x5b: {  	s12 =	sand.u32 $0x70, s11;
	s11 =	sand.u32 $0xC00, s11;
	[sflag:s10] =	ssyncset.done @!p0 $0x0  }
0x5c: {  	s13 =	sor.u32 s12, s11;
	[sflag:s10] =	ssyncadd.s32 @!p0 $0xFFFFFE80  }
0x5d: {  	v3 =	vld [tilespmem:s13+$0x8080]  }
0x5e: {  	v37 =	vld [tilespmem:s13+$0x8000]  }
0x5f: {  	v5 =	vld [tilespmem:s13+$0x8100]  }
0x60: {  	v6 =	vld [tilespmem:s13+$0x8180]  }
0x61: {  	v7 =	vld [tilespmem:s13+$0x8200]  }
0x62: {  	v8 =	vld [tilespmem:s13+$0x8280]  }
0x63: {  	v38 =	vld [tilespmem:s13+$0x8300];
	v3 =	vmax.f32 v37, v3  }
0x64: {  	v39 =	vld [tilespmem:s13+$0x8380];
	v3 =	vmax.f32 v3, v5  }
0x65: {  	v40 =	vld [tilespmem:s13+$0x8C00];
	v3 =	vmax.f32 v3, v6  }
0x66: {  	v41 =	vld [tilespmem:s13+$0x8C80];
	v3 =	vmax.f32 v3, v7  }
0x67: {  	v42 =	vld [tilespmem:s13+$0x8D00];
	v3 =	vmax.f32 v3, v8  }
0x68: {  	v43 =	vld [tilespmem:s13+$0x8D80];
	v3 =	vmax.f32 v3, v38  }
0x69: {  	v44 =	vld [tilespmem:s13+$0x8E00];
	v3 =	vmax.f32 v3, v39  }
0x6a: {  	v45 =	vld [tilespmem:s13+$0x8E80];
	v3 =	vmax.f32 v3, v40  }
0x6b: {  	v46 =	vld [tilespmem:s13+$0x8F00];
	v3 =	vmax.f32 v3, v41  }
0x6c: {  	v47 =	vld [tilespmem:s13+$0x8F80];
	v3 =	vmax.f32 v3, v42  }
0x6d: {  	v48 =	vld [tilespmem:s13+$0x9800];
	v3 =	vmax.f32 v3, v43  }
0x6e: {  	v49 =	vld [tilespmem:s13+$0x9880];
	v3 =	vmax.f32 v3, v44  }
0x6f: {  	v50 =	vld [tilespmem:s13+$0x9900];
	v3 =	vmax.f32 v3, v45  }
0x70: {  	v51 =	vld [tilespmem:s13+$0x9980];
	v3 =	vmax.f32 v3, v46  }
0x71: {  	v52 =	vld [tilespmem:s13+$0x9A00];
	v3 =	vmax.f32 v3, v47  }
0x72: {  	v53 =	vld [tilespmem:s13+$0x9A80];
	v3 =	vmax.f32 v3, v48  }
0x73: {  	v54 =	vld [tilespmem:s13+$0x9B00];
	v3 =	vmax.f32 v3, v49  }
0x74: {  	v55 =	vld [tilespmem:s13+$0x9B80];
	v3 =	vmax.f32 v3, v50  }
0x75: {  	v56 =	vld [tilespmem:s13+$0xA400];
	v3 =	vmax.f32 v3, v51  }
0x76: {  	v57 =	vld [tilespmem:s13+$0xA480];
	v3 =	vmax.f32 v3, v52  }
0x77: {  	v58 =	vld [tilespmem:s13+$0xA500];
	v3 =	vmax.f32 v3, v53  }
0x78: {  	v59 =	vld [tilespmem:s13+$0xA580];
	v3 =	vmax.f32 v3, v54  }
0x79: {  	v60 =	vld [tilespmem:s13+$0xA600];
	v3 =	vmax.f32 v3, v55  }
0x7a: {  	v61 =	vld [tilespmem:s13+$0xA680];
	v3 =	vmax.f32 v3, v56  }
0x7b: {  	v62 =	vld [tilespmem:s13+$0xA700];
	v3 =	vmax.f32 v3, v57  }
0x7c: {  	v63 =	vld [tilespmem:s13+$0xA780];
	v3 =	vmax.f32 v3, v58  }
0x7d: {  	v3 =	vmax.f32 v3, v59  }
0x7e: {  	v3 =	vmax.f32 v3, v60  }
0x7f: {  	v3 =	vmax.f32 v3, v61  }
0x80: {  	s14 =	simm.s32 $0x10;
	s13 =	simm.s32 $0x80;
	v3 =	vmax.f32 v3, v62  }
0x81: {  	s15 =	sand.u32 $0x70, s14;
	s10 =	simm.s32 $0xE000;
	s14 =	sand.u32 $0xC00, s13;
	v3 =	vmax.f32 v3, v63  }
0x82: {  	s11 =	sshll.u32 s9, $0x1;
	s12 =	sor.u32 s15, s14;
	s14 =	simm.s32 $0x20;
	[tilespmem:s10+$0x0] =	vst v3  }
.LBB2_3:
0x83: {  	p1 =	sne.s32 s14, $0x170;
	v3 =	vld [tilespmem:s12+$0x8080]  }
0x84: {  	v4 =	vld [tilespmem:s12+$0x8000]  }
0x85: {  	v5 =	vld [tilespmem:s12+$0x8100]  }
0x86: {  	v6 =	vld [tilespmem:s12+$0x8180]  }
0x87: {  	v7 =	vld [tilespmem:s12+$0x8200]  }
0x88: {  	v8 =	vld [tilespmem:s12+$0x8280]  }
0x89: {  	v3 =	vmax.f32 v4, v3;
	v4 =	vld [tilespmem:s12+$0x8300]  }
0x8a: {  	v3 =	vmax.f32 v3, v5;
	v5 =	vld [tilespmem:s12+$0x8380]  }
0x8b: {  	v3 =	vmax.f32 v3, v6;
	v6 =	vld [tilespmem:s12+$0x8C00]  }
0x8c: {  	v3 =	vmax.f32 v3, v7;
	v7 =	vld [tilespmem:s12+$0x8C80]  }
0x8d: {  	v3 =	vmax.f32 v3, v8;
	v8 =	vld [tilespmem:s12+$0x8D00]  }
0x8e: {  	v3 =	vmax.f32 v3, v4;
	v4 =	vld [tilespmem:s12+$0x8D80]  }
0x8f: {  	v3 =	vmax.f32 v3, v5;
	v5 =	vld [tilespmem:s12+$0x8E00]  }
0x90: {  	v3 =	vmax.f32 v3, v6;
	v6 =	vld [tilespmem:s12+$0x8E80]  }
0x91: {  	v3 =	vmax.f32 v3, v7;
	v7 =	vld [tilespmem:s12+$0x8F00]  }
0x92: {  	v3 =	vmax.f32 v3, v8;
	v8 =	vld [tilespmem:s12+$0x8F80]  }
0x93: {  	v3 =	vmax.f32 v3, v4;
	v4 =	vld [tilespmem:s12+$0x9800]  }
0x94: {  	v3 =	vmax.f32 v3, v5;
	v5 =	vld [tilespmem:s12+$0x9880]  }
0x95: {  	v3 =	vmax.f32 v3, v6;
	v6 =	vld [tilespmem:s12+$0x9900]  }
0x96: {  	v3 =	vmax.f32 v3, v7;
	v7 =	vld [tilespmem:s12+$0x9980]  }
0x97: {  	v3 =	vmax.f32 v3, v8;
	v8 =	vld [tilespmem:s12+$0x9A00]  }
0x98: {  	v3 =	vmax.f32 v3, v4;
	v4 =	vld [tilespmem:s12+$0x9A80]  }
0x99: {  	v3 =	vmax.f32 v3, v5;
	v5 =	vld [tilespmem:s12+$0x9B00]  }
0x9a: {  	v3 =	vmax.f32 v3, v6;
	v6 =	vld [tilespmem:s12+$0x9B80]  }
0x9b: {  	v3 =	vmax.f32 v3, v7;
	v7 =	vld [tilespmem:s12+$0xA400]  }
0x9c: {  	v3 =	vmax.f32 v3, v8;
	v8 =	vld [tilespmem:s12+$0xA480]  }
0x9d: {  	v3 =	vmax.f32 v3, v4;
	v4 =	vld [tilespmem:s12+$0xA500]  }
0x9e: {  	v3 =	vmax.f32 v3, v5;
	v5 =	vld [tilespmem:s12+$0xA580]  }
0x9f: {  	v3 =	vmax.f32 v3, v6;
	v6 =	vld [tilespmem:s12+$0xA600]  }
0xa0: {  	v3 =	vmax.f32 v3, v7;
	v7 =	vld [tilespmem:s12+$0xA680]  }
0xa1: {  	v3 =	vmax.f32 v3, v8;
	v8 =	vld [tilespmem:s12+$0xA700]  }
0xa2: {  	v3 =	vmax.f32 v3, v4;
	v4 =	vld [tilespmem:s12+$0xA780]  }
0xa3: {  	v3 =	vmax.f32 v3, v5  }
.Ltmp0:
0xa4: {  	v3 =	vmax.f32 v3, v6;
	(pc) =	sbr.rel @p1 .LBB2_3-.Ltmp0, $4  }
0xa5: {  	v3 =	vmax.f32 v3, v7  }
0xa6: {  	s13 =	sadd.s32 $0x80, s13;
	v3 =	vmax.f32 v3, v8  }
0xa7: {  	s10 =	sadd.s32 $0x10, s10;
	s15 =	sand.u32 $0xC00, s13;
	s12 =	sand.u32 $0x70, s14;
	v3 =	vmax.f32 v3, v4  }
0xa8: {  	s14 =	sadd.s32 $0x10, s14;
	s12 =	sor.u32 s12, s15;
	[tilespmem:s10+$0x0] =	vst v3  }
0xa9: {  	v3 =	vld [tilespmem:s12+$0x8080]  }
0xaa: {  	v4 =	vld [tilespmem:s12+$0x8000]  }
0xab: {  	v5 =	vld [tilespmem:s12+$0x8100]  }
0xac: {  	v6 =	vld [tilespmem:s12+$0x8180]  }
0xad: {  	v7 =	vld [tilespmem:s12+$0x8200]  }
0xae: {  	v8 =	vld [tilespmem:s12+$0x8280]  }
0xaf: {  	v38 =	vld [tilespmem:s12+$0x8300];
	v3 =	vmax.f32 v4, v3  }
0xb0: {  	v39 =	vld [tilespmem:s12+$0x8380];
	v3 =	vmax.f32 v3, v5  }
0xb1: {  	v40 =	vld [tilespmem:s12+$0x8C00];
	v3 =	vmax.f32 v3, v6  }
0xb2: {  	v41 =	vld [tilespmem:s12+$0x8C80];
	v3 =	vmax.f32 v3, v7  }
0xb3: {  	v42 =	vld [tilespmem:s12+$0x8D00];
	v3 =	vmax.f32 v3, v8  }
0xb4: {  	v43 =	vld [tilespmem:s12+$0x8D80];
	v3 =	vmax.f32 v3, v38  }
0xb5: {  	v44 =	vld [tilespmem:s12+$0x8E00];
	v3 =	vmax.f32 v3, v39  }
0xb6: {  	v45 =	vld [tilespmem:s12+$0x8E80];
	v3 =	vmax.f32 v3, v40  }
0xb7: {  	v46 =	vld [tilespmem:s12+$0x8F00];
	v3 =	vmax.f32 v3, v41  }
0xb8: {  	v47 =	vld [tilespmem:s12+$0x8F80];
	v3 =	vmax.f32 v3, v42  }
0xb9: {  	v48 =	vld [tilespmem:s12+$0x9800];
	v3 =	vmax.f32 v3, v43  }
0xba: {  	v49 =	vld [tilespmem:s12+$0x9880];
	v3 =	vmax.f32 v3, v44  }
0xbb: {  	v50 =	vld [tilespmem:s12+$0x9900];
	v3 =	vmax.f32 v3, v45  }
0xbc: {  	v51 =	vld [tilespmem:s12+$0x9980];
	v3 =	vmax.f32 v3, v46  }
0xbd: {  	v52 =	vld [tilespmem:s12+$0x9A00];
	v3 =	vmax.f32 v3, v47  }
0xbe: {  	v53 =	vld [tilespmem:s12+$0x9A80];
	v3 =	vmax.f32 v3, v48  }
0xbf: {  	v54 =	vld [tilespmem:s12+$0x9B00];
	v3 =	vmax.f32 v3, v49  }
0xc0: {  	v55 =	vld [tilespmem:s12+$0x9B80];
	v3 =	vmax.f32 v3, v50  }
0xc1: {  	v56 =	vld [tilespmem:s12+$0xA400];
	v3 =	vmax.f32 v3, v51  }
0xc2: {  	v57 =	vld [tilespmem:s12+$0xA480];
	v3 =	vmax.f32 v3, v52  }
0xc3: {  	v58 =	vld [tilespmem:s12+$0xA500];
	v3 =	vmax.f32 v3, v53  }
0xc4: {  	v59 =	vld [tilespmem:s12+$0xA580];
	v3 =	vmax.f32 v3, v54  }
0xc5: {  	v60 =	vld [tilespmem:s12+$0xA600];
	v3 =	vmax.f32 v3, v55  }
0xc6: {  	v61 =	vld [tilespmem:s12+$0xA680];
	v3 =	vmax.f32 v3, v56  }
0xc7: {  	v62 =	vld [tilespmem:s12+$0xA700];
	v3 =	vmax.f32 v3, v57  }
0xc8: {  	v63 =	vld [tilespmem:s12+$0xA780];
	s11 =	sadd.s32 s4, s11;
	v3 =	vmax.f32 v3, v58  }
0xc9: {  	s11 =	sshrl.u32 s11, $0x3;
	v3 =	vmax.f32 v3, v59  }
0xca: {  	p1 =	sne.s32 s9, $0x7F;
	s11 =	smul.u32 $0xC00, s11;
	v3 =	vmax.f32 v3, v60  }
.Ltmp1:
0xcb: {  	s8 =	sand.u32 $0x300, s8;
	v3 =	vmax.f32 v3, v61;
	(pc) =	sbr.rel @p1 .LBB2_6-.Ltmp1, $4  }
0xcc: {  	s8 =	sor.u32 s8, s11;
	v3 =	vmax.f32 v3, v62  }
0xcd: {  	s10 =	sadd.s32 $0x10, s10;
	s8 =	sshrl.u32 s8, $0x3;
	v3 =	vmax.f32 v3, v63  }
0xce: {  	s15 =	sadd.s32 s5, s8;
	[tilespmem:s10+$0x0] =	vst v3  }
0xcf: {  	[hbm4b:s15+s28] =	stream.strided.scatter [tilespmem:s30], [sflag:$0x3], $0x180, s29, s28, $0x38;
	[tilespmem:$0xE300] =	vst v63  }
.Ltmp2:
0xd0: {  	(pc) =	sbr.rel .LBB2_7-.Ltmp2, $4  }
0xd1: {  	_ = 	snop  }
0xd2: {  	_ =	swait.ge [sflag:s31], $0x3000  }
0xd3: {  	[sflag:s31] =	ssyncset.done $0x0  }
0xd4: {  	[sflag:s31] =	ssyncadd.s32 $0xFFFFD000  }
.LBB2_6:
0xd5: {  	v3 =	vld [tilespmem:s6+$0x100];
	_ =	sdelay $0x4  }
0xd6: {  	v4 =	vshrl.u32 v3, $0x3  }
0xd7: {  	v4 =	vmul.u32 $0x18, v4  }
0xd8: {  	v3 =	vand.u32 $0x7, v3  }
0xd9: {  	v3 =	vor.u32 v3, v4  }
0xda: {  	v4 =	vperm.xlane v3, v0;
	_ =	sdelay $0x1  }
0xdb: {  	v4 =	vadd.s32 v1, v4;
	_ =	sdelay $0x1  }
0xdc: {  	v3 =	vperm.xlane v3, v2;
	_ =	sdelay $0x1  }
0xdd: {  	s10 =	simm.s32 $0x8000;
	v3 =	vadd.s32 v1, v3  }
0xde: {  	[tilespmem:s10], [sflag:$0x1] =	stream.indirect_vreg.gather [hbm4b:s3+s2], $0x80, v4, vm0, $0xb8;
	[tilespmem:$0xE300] =	vst v63  }
0xdf: {  	s11 =	simm.s32 $0x8800  }
0xe0: {  	[tilespmem:s11], [sflag:$0x1] =	stream.indirect_vreg.gather [hbm4b:s7+s2], $0x80, v4, vm1, $0xb8;
	[tilespmem:$0xE300] =	vst v63  }
0xe1: {  	s12 =	simm.s32 $0x8C00  }
0xe2: {  	[tilespmem:s12], [sflag:$0x1] =	stream.indirect_vreg.gather [hbm4b:s3+s2], $0x80, v3, vm0, $0xb8;
	[tilespmem:$0xE300] =	vst v63  }
0xe3: {  	s13 =	simm.s32 $0x9400  }
0xe4: {  	[tilespmem:s13], [sflag:$0x1] =	stream.indirect_vreg.gather [hbm4b:s7+s2], $0x80, v3, vm1, $0xb8;
	[tilespmem:$0xE300] =	vst v63  }
0xe5: {  	v3 =	vld [tilespmem:s6+$0x110];
	_ =	sdelay $0x4  }
0xe6: {  	v63 =	vshrl.u32 v3, $0x3  }
0xe7: {  	v4 =	vmul.u32 $0x18, v63  }
0xe8: {  	v3 =	vand.u32 $0x7, v3  }
0xe9: {  	v3 =	vor.u32 v3, v4  }
0xea: {  	v4 =	vperm.xlane v3, v0;
	_ =	sdelay $0x1  }
0xeb: {  	v4 =	vadd.s32 v1, v4;
	_ =	sdelay $0x1  }
0xec: {  	v3 =	vperm.xlane v3, v2;
	_ =	sdelay $0x1  }
0xed: {  	s14 =	simm.s32 $0x9800;
	v3 =	vadd.s32 v1, v3  }
0xee: {  	[tilespmem:s14], [sflag:$0x1] =	stream.indirect_vreg.gather [hbm4b:s3+s2], $0x80, v4, vm0, $0xb8;
	[tilespmem:$0xE300] =	vst v63  }
0xef: {  	s15 =	simm.s32 $0xA000  }
0xf0: {  	[tilespmem:s15], [sflag:$0x1] =	stream.indirect_vreg.gather [hbm4b:s7+s2], $0x80, v4, vm1, $0xb8;
	[tilespmem:$0xE300] =	vst v63  }
0xf1: {  	_ = 	snop  }
0xf2: {  	[tilespmem:s16], [sflag:$0x1] =	stream.indirect_vreg.gather [hbm4b:s3+s2], $0x80, v3, vm0, $0xb8;
	[tilespmem:$0xE300] =	vst v63  }
.Ltmp3:
0xf3: {  	_ = 	snop;
	(pc) =	sbr.rel @p0 .LBB2_8-.Ltmp3, $4  }
0xf4: {  	[tilespmem:s17], [sflag:$0x1] =	stream.indirect_vreg.gather [hbm4b:s7+s2], $0x80, v3, vm1, $0xb8;
	[tilespmem:$0xE300] =	vst v63  }
0xf5: {  	_ =	swait.ge [sflag:s31], $0x3000  }
0xf6: {  	[sflag:s31] =	ssyncset.done $0x0  }
0xf7: {  	[sflag:s31] =	ssyncadd.s32 $0xFFFFD000  }
.LBB2_7:
0xf8: {  	_ =	swait.ge [sflag:s0], $0x180  }
0xf9: {  	[sflag:s0] =	ssyncset.done $0x0  }
0xfa: {  	[sflag:s0] =	ssyncadd.s32 $0xFFFFFE80  }
.LBB2_8:
0xfb: {  	s6 =	simm.s32 $0x0  }
0xfc: {  	s10 =	sand.u32 $0x70, s6;
	s6 =	sand.u32 $0xC00, s6  }
0xfd: {  	s6 =	sor.u32 s10, s6  }
0xfe: {  	v3 =	vld [tilespmem:s6+$0xB080]  }
0xff: {  	v4 =	vld [tilespmem:s6+$0xB000]  }
0x100: {  	v5 =	vld [tilespmem:s6+$0xB100]  }
0x101: {  	v6 =	vld [tilespmem:s6+$0xB180]  }
0x102: {  	v7 =	vld [tilespmem:s6+$0xB200]  }
0x103: {  	v8 =	vld [tilespmem:s6+$0xB280]  }
0x104: {  	v38 =	vld [tilespmem:s6+$0xB300];
	v3 =	vmax.f32 v4, v3  }
0x105: {  	v39 =	vld [tilespmem:s6+$0xB380];
	v3 =	vmax.f32 v3, v5  }
0x106: {  	v40 =	vld [tilespmem:s6+$0xBC00];
	v3 =	vmax.f32 v3, v6  }
0x107: {  	v41 =	vld [tilespmem:s6+$0xBC80];
	v3 =	vmax.f32 v3, v7  }
0x108: {  	v42 =	vld [tilespmem:s6+$0xBD00];
	v3 =	vmax.f32 v3, v8  }
0x109: {  	v43 =	vld [tilespmem:s6+$0xBD80];
	v3 =	vmax.f32 v3, v38  }
0x10a: {  	v44 =	vld [tilespmem:s6+$0xBE00];
	v3 =	vmax.f32 v3, v39  }
0x10b: {  	v45 =	vld [tilespmem:s6+$0xBE80];
	v3 =	vmax.f32 v3, v40  }
0x10c: {  	v46 =	vld [tilespmem:s6+$0xBF00];
	v3 =	vmax.f32 v3, v41  }
0x10d: {  	v47 =	vld [tilespmem:s6+$0xBF80];
	v3 =	vmax.f32 v3, v42  }
0x10e: {  	v48 =	vld [tilespmem:s6+$0xC800];
	v3 =	vmax.f32 v3, v43  }
0x10f: {  	v49 =	vld [tilespmem:s6+$0xC880];
	v3 =	vmax.f32 v3, v44  }
0x110: {  	v50 =	vld [tilespmem:s6+$0xC900];
	v3 =	vmax.f32 v3, v45  }
0x111: {  	v51 =	vld [tilespmem:s6+$0xC980];
	v3 =	vmax.f32 v3, v46  }
0x112: {  	v52 =	vld [tilespmem:s6+$0xCA00];
	v3 =	vmax.f32 v3, v47  }
0x113: {  	v53 =	vld [tilespmem:s6+$0xCA80];
	v3 =	vmax.f32 v3, v48  }
0x114: {  	v54 =	vld [tilespmem:s6+$0xCB00];
	v3 =	vmax.f32 v3, v49  }
0x115: {  	v55 =	vld [tilespmem:s6+$0xCB80];
	v3 =	vmax.f32 v3, v50  }
0x116: {  	v56 =	vld [tilespmem:s6+$0xD400];
	v3 =	vmax.f32 v3, v51  }
0x117: {  	v57 =	vld [tilespmem:s6+$0xD480];
	v3 =	vmax.f32 v3, v52  }
0x118: {  	v58 =	vld [tilespmem:s6+$0xD500];
	v3 =	vmax.f32 v3, v53  }
0x119: {  	v59 =	vld [tilespmem:s6+$0xD580];
	v3 =	vmax.f32 v3, v54  }
0x11a: {  	v60 =	vld [tilespmem:s6+$0xD600];
	v3 =	vmax.f32 v3, v55  }
0x11b: {  	v61 =	vld [tilespmem:s6+$0xD680];
	v3 =	vmax.f32 v3, v56  }
0x11c: {  	v62 =	vld [tilespmem:s6+$0xD700];
	v3 =	vmax.f32 v3, v57  }
0x11d: {  	v63 =	vld [tilespmem:s6+$0xD780];
	v3 =	vmax.f32 v3, v58  }
0x11e: {  	v3 =	vmax.f32 v3, v59  }
0x11f: {  	v3 =	vmax.f32 v3, v60  }
0x120: {  	v3 =	vmax.f32 v3, v61  }
0x121: {  	s15 =	simm.s32 $0x10;
	s11 =	simm.s32 $0x80;
	v3 =	vmax.f32 v3, v62  }
0x122: {  	s12 =	sand.u32 $0xC00, s11;
	s10 =	sand.u32 $0x70, s15;
	s6 =	simm.s32 $0xE180;
	v3 =	vmax.f32 v3, v63  }
0x123: {  	s10 =	sor.u32 s10, s12;
	s12 =	simm.s32 $0x20;
	[tilespmem:s6+$0x0] =	vst v3  }
.LBB2_9:
0x124: {  	p0 =	sne.s32 s12, $0x170;
	v3 =	vld [tilespmem:s10+$0xB080]  }
0x125: {  	v4 =	vld [tilespmem:s10+$0xB000]  }
0x126: {  	v5 =	vld [tilespmem:s10+$0xB100]  }
0x127: {  	v6 =	vld [tilespmem:s10+$0xB180]  }
0x128: {  	v7 =	vld [tilespmem:s10+$0xB200]  }
0x129: {  	v8 =	vld [tilespmem:s10+$0xB280]  }
0x12a: {  	v3 =	vmax.f32 v4, v3;
	v4 =	vld [tilespmem:s10+$0xB300]  }
0x12b: {  	v3 =	vmax.f32 v3, v5;
	v5 =	vld [tilespmem:s10+$0xB380]  }
0x12c: {  	v3 =	vmax.f32 v3, v6;
	v6 =	vld [tilespmem:s10+$0xBC00]  }
0x12d: {  	v3 =	vmax.f32 v3, v7;
	v7 =	vld [tilespmem:s10+$0xBC80]  }
0x12e: {  	v3 =	vmax.f32 v3, v8;
	v8 =	vld [tilespmem:s10+$0xBD00]  }
0x12f: {  	v3 =	vmax.f32 v3, v4;
	v4 =	vld [tilespmem:s10+$0xBD80]  }
0x130: {  	v3 =	vmax.f32 v3, v5;
	v5 =	vld [tilespmem:s10+$0xBE00]  }
0x131: {  	v3 =	vmax.f32 v3, v6;
	v6 =	vld [tilespmem:s10+$0xBE80]  }
0x132: {  	v3 =	vmax.f32 v3, v7;
	v7 =	vld [tilespmem:s10+$0xBF00]  }
0x133: {  	v3 =	vmax.f32 v3, v8;
	v8 =	vld [tilespmem:s10+$0xBF80]  }
0x134: {  	v3 =	vmax.f32 v3, v4;
	v4 =	vld [tilespmem:s10+$0xC800]  }
0x135: {  	v3 =	vmax.f32 v3, v5;
	v5 =	vld [tilespmem:s10+$0xC880]  }
0x136: {  	v3 =	vmax.f32 v3, v6;
	v6 =	vld [tilespmem:s10+$0xC900]  }
0x137: {  	v3 =	vmax.f32 v3, v7;
	v7 =	vld [tilespmem:s10+$0xC980]  }
0x138: {  	v3 =	vmax.f32 v3, v8;
	v8 =	vld [tilespmem:s10+$0xCA00]  }
0x139: {  	v3 =	vmax.f32 v3, v4;
	v4 =	vld [tilespmem:s10+$0xCA80]  }
0x13a: {  	v3 =	vmax.f32 v3, v5;
	v5 =	vld [tilespmem:s10+$0xCB00]  }
0x13b: {  	v3 =	vmax.f32 v3, v6;
	v6 =	vld [tilespmem:s10+$0xCB80]  }
0x13c: {  	v3 =	vmax.f32 v3, v7;
	v7 =	vld [tilespmem:s10+$0xD400]  }
0x13d: {  	v3 =	vmax.f32 v3, v8;
	v8 =	vld [tilespmem:s10+$0xD480]  }
0x13e: {  	v3 =	vmax.f32 v3, v4;
	v4 =	vld [tilespmem:s10+$0xD500]  }
0x13f: {  	v3 =	vmax.f32 v3, v5;
	v5 =	vld [tilespmem:s10+$0xD580]  }
0x140: {  	v3 =	vmax.f32 v3, v6;
	v6 =	vld [tilespmem:s10+$0xD600]  }
0x141: {  	v3 =	vmax.f32 v3, v7;
	v7 =	vld [tilespmem:s10+$0xD680]  }
0x142: {  	v3 =	vmax.f32 v3, v8;
	v8 =	vld [tilespmem:s10+$0xD700]  }
0x143: {  	v3 =	vmax.f32 v3, v4;
	v4 =	vld [tilespmem:s10+$0xD780]  }
0x144: {  	v3 =	vmax.f32 v3, v5  }
.Ltmp4:
0x145: {  	v3 =	vmax.f32 v3, v6;
	(pc) =	sbr.rel @p0 .LBB2_9-.Ltmp4, $4  }
0x146: {  	v3 =	vmax.f32 v3, v7  }
0x147: {  	s11 =	sadd.s32 $0x80, s11;
	v3 =	vmax.f32 v3, v8  }
0x148: {  	s6 =	sadd.s32 $0x10, s6;
	s13 =	sand.u32 $0xC00, s11;
	s10 =	sand.u32 $0x70, s12;
	v3 =	vmax.f32 v3, v4  }
0x149: {  	s12 =	sadd.s32 $0x10, s12;
	s10 =	sor.u32 s10, s13;
	[tilespmem:s6+$0x0] =	vst v3  }
0x14a: {  	v3 =	vld [tilespmem:s10+$0xB080]  }
0x14b: {  	v4 =	vld [tilespmem:s10+$0xB000]  }
0x14c: {  	v5 =	vld [tilespmem:s10+$0xB100]  }
0x14d: {  	v6 =	vld [tilespmem:s10+$0xB180]  }
0x14e: {  	v7 =	vld [tilespmem:s10+$0xB200]  }
0x14f: {  	v8 =	vld [tilespmem:s10+$0xB280]  }
0x150: {  	v38 =	vld [tilespmem:s10+$0xB300];
	v3 =	vmax.f32 v4, v3  }
0x151: {  	v39 =	vld [tilespmem:s10+$0xB380];
	v3 =	vmax.f32 v3, v5  }
0x152: {  	v40 =	vld [tilespmem:s10+$0xBC00];
	v3 =	vmax.f32 v3, v6  }
0x153: {  	v41 =	vld [tilespmem:s10+$0xBC80];
	v3 =	vmax.f32 v3, v7  }
0x154: {  	v42 =	vld [tilespmem:s10+$0xBD00];
	v3 =	vmax.f32 v3, v8  }
0x155: {  	v43 =	vld [tilespmem:s10+$0xBD80];
	v3 =	vmax.f32 v3, v38  }
0x156: {  	v44 =	vld [tilespmem:s10+$0xBE00];
	v3 =	vmax.f32 v3, v39  }
0x157: {  	v45 =	vld [tilespmem:s10+$0xBE80];
	v3 =	vmax.f32 v3, v40  }
0x158: {  	v46 =	vld [tilespmem:s10+$0xBF00];
	v3 =	vmax.f32 v3, v41  }
0x159: {  	v47 =	vld [tilespmem:s10+$0xBF80];
	v3 =	vmax.f32 v3, v42  }
0x15a: {  	v48 =	vld [tilespmem:s10+$0xC800];
	v3 =	vmax.f32 v3, v43  }
0x15b: {  	v49 =	vld [tilespmem:s10+$0xC880];
	v3 =	vmax.f32 v3, v44  }
0x15c: {  	v50 =	vld [tilespmem:s10+$0xC900];
	v3 =	vmax.f32 v3, v45  }
0x15d: {  	v51 =	vld [tilespmem:s10+$0xC980];
	v3 =	vmax.f32 v3, v46  }
0x15e: {  	v52 =	vld [tilespmem:s10+$0xCA00];
	v3 =	vmax.f32 v3, v47  }
0x15f: {  	v53 =	vld [tilespmem:s10+$0xCA80];
	v3 =	vmax.f32 v3, v48  }
0x160: {  	v54 =	vld [tilespmem:s10+$0xCB00];
	v3 =	vmax.f32 v3, v49  }
0x161: {  	v55 =	vld [tilespmem:s10+$0xCB80];
	v3 =	vmax.f32 v3, v50  }
0x162: {  	v56 =	vld [tilespmem:s10+$0xD400];
	v3 =	vmax.f32 v3, v51  }
0x163: {  	v57 =	vld [tilespmem:s10+$0xD480];
	v3 =	vmax.f32 v3, v52  }
0x164: {  	v58 =	vld [tilespmem:s10+$0xD500];
	v3 =	vmax.f32 v3, v53  }
0x165: {  	v59 =	vld [tilespmem:s10+$0xD580];
	v3 =	vmax.f32 v3, v54  }
0x166: {  	v60 =	vld [tilespmem:s10+$0xD600];
	v3 =	vmax.f32 v3, v55  }
0x167: {  	v61 =	vld [tilespmem:s10+$0xD680];
	v3 =	vmax.f32 v3, v56  }
0x168: {  	v62 =	vld [tilespmem:s10+$0xD700];
	v3 =	vmax.f32 v3, v57  }
0x169: {  	v63 =	vld [tilespmem:s10+$0xD780];
	v3 =	vmax.f32 v3, v58  }
0x16a: {  	s9 =	sadd.s32 $0x1, s9;
	v3 =	vmax.f32 v3, v59  }
0x16b: {  	p0 =	sne.s32 s9, $0x80;
	v3 =	vmax.f32 v3, v60  }
.Ltmp5:
0x16c: {  	v3 =	vmax.f32 v3, v61;
	(pc) =	sbr.rel @p0 .LBB2_2-.Ltmp5, $4  }
0x16d: {  	v3 =	vmax.f32 v3, v62  }
0x16e: {  	s6 =	sadd.s32 $0x10, s6;
	s8 =	sadd.s32 s8, s5;
	v3 =	vmax.f32 v3, v63  }
0x16f: {  	s15 =	sadd.s32 $0x10, s8;
	[tilespmem:s6+$0x0] =	vst v3  }
0x170: {  	[hbm4b:s15+s28] =	stream.strided.scatter [tilespmem:s1], [sflag:$0x4], $0x180, s29, s28, $0x38;
	[tilespmem:$0xE300] =	vst v63  }
0x171: {  	s6 =	simm.s32 $0x3  }
0x172: {  	_ =	swait.ge [sflag:s6], $0x180  }
0x173: {  	[sflag:s6] =	ssyncset.done $0x0  }
0x174: {  	[sflag:s6] =	ssyncadd.s32 $0xFFFFFE80  }
0x175: {  	_ =	swait.ge [sflag:s0], $0x180  }
0x176: {  	s8 =	rddreg [dreg:$0x5]  }
0x177: {  	s15 =	rddreg [dreg:$0x4];
	s8 =	sadd.s32 $0x1, s8  }
0x178: {  	p0 =	sne.s32 s8, s15  }
.Ltmp6:
0x179: {  	_ = 	snop;
	(pc) =	sbr.rel @p0 .LBB2_1-.Ltmp6, $3  }
0x17a: {  	_ =	sdelay $0x1  }
0x17b: {  	[sflag:s0] =	ssyncset.done $0x0  }
0x17c: {  	[sflag:s0] =	ssyncadd.s32 $0xFFFFFE80  }
0x17d: {  	_ =	sfence.sel $0x180000  }
0x17e: {  	[bflag:$0x0] =	sbarrier.arrive $0xFFFF  }
0x17f: {  	_ =	strace $0x90000047  }
0x180: {  	s0 =	stileid.u32;
	[bflag:$0x2] =	sbarrier.arrive $0xFFFF  }
0x181: {  	p0 =	sne.s32 s0, $0x0;
	s0 =	rddreg [dreg:$0x2]  }
0x182: {  	s0 =	sadd.s32 @!p0 $0x100000, s0  }
0x183: {  	[sflag:s0] =	ssyncadd.tile.s32 @!p0 $0x1;
	_ =	shalt  }
.Lfunc_end2:
_tile_overlayer_lowered:
.L_overlay_start_2:
0x184: {  	(tag) =	ssettag $0x2  }
0x185: {  	s0 =	rddreg [dreg:$0x0];
	s2 =	stileid.u32  }
0x186: {  	s1 =	rddreg [dreg:$0x1];
	p0 =	sne.s32 s2, $0x0  }
0x187: {  	s3 =	rddreg [dreg:$0x2];
	[bflag:$0x3] =	sbarrier.arrive $0xFFFF;
	s2 =	simm.s32 @!p0 $0x1C05  }
0x188: {  	[timem:s3], [sflag:s2] =	dma.local @!p0 [hbm:s0], s1  }
0x189: {  	s0 =	simm.s32 @!p0 $0x5  }
0x18a: {  	_ =	swait.ge @!p0 [sflag:s0], s1  }
0x18b: {  	s1 =	ssub.s32 @!p0 $0x0, s1;
	[sflag:s0] =	ssyncset.done @!p0 $0x0  }
0x18c: {  	[sflag:s0] =	ssyncadd.s32 @!p0 s1  }
0x18d: {  	[bflag:$0x3] =	sbarrier.arrive $0xFFFF  }
0x18e: {  	_ =	shalt  }

</sc_bundles>
